<compile_context>
chip_gen: v7x
topology: tpu7x:2x2x1
jax: 0.10.2.dev20260603
libtpu: 0.0.44.dev20260713+nightly
codegen_flags: <defaults>
</compile_context>

<pallas_src>
import functools

import jax
import jax.numpy as jnp
from jax import lax
from jax.experimental import pallas as pl
from jax.experimental.pallas import tpu as pltpu
from jax.experimental.pallas import tpu_sc as plsc

_INFO = plsc.get_sparse_core_info()
_NC = _INFO.num_cores
_NS = _INFO.num_subcores
_NW = _NC * _NS

_CH = 16
_NBUF = 3


def _gather_kernel(n, d, b_per_w, ch, nbuf):
    n_chunks = b_per_w // ch
    mesh = plsc.VectorSubcoreMesh(core_axis_name="c", subcore_axis_name="s")

    @functools.partial(
        pl.kernel,
        mesh=mesh,
        out_type=jax.ShapeDtypeStruct((n, d), jnp.float32),
        scratch_types=[
            pltpu.VMEM((n_chunks, ch), jnp.int32),
        ]
        + [pltpu.VMEM((ch, d), jnp.float32) for _ in range(nbuf)]
        + [pltpu.SemaphoreType.DMA for _ in range(2 * nbuf)],
    )
    def k(idx_hbm, table_hbm, out_hbm, idx_v, *rest):
        bufs = rest[:nbuf]
        gsems = rest[nbuf : 2 * nbuf]
        osems = rest[2 * nbuf :]

        wid = lax.axis_index("s") * _NC + lax.axis_index("c")
        base = wid * b_per_w
        pltpu.sync_copy(idx_hbm.at[wid], idx_v)

        def start_gather(c, slot):
            pltpu.async_copy(table_hbm.at[idx_v.at[c]], bufs[slot], gsems[slot])

        def wait_gather(c, slot):
            pltpu.make_async_copy(
                table_hbm.at[idx_v.at[c]], bufs[slot], gsems[slot]
            ).wait()

        def out_ref(c):
            return out_hbm.at[pl.ds(base + c * ch, ch), :]

        def start_out(c, slot):
            pltpu.async_copy(bufs[slot], out_ref(c), osems[slot])

        def wait_out(c, slot):
            pltpu.make_async_copy(bufs[slot], out_ref(c), osems[slot]).wait()

        def step(c, slot, do_outwait, do_gather):
            wait_gather(c, slot)
            start_out(c, slot)
            if do_gather:
                if do_outwait:
                    wait_out(c - 1, (slot - 1) % nbuf)
                start_gather(c + nbuf - 1, (slot - 1) % nbuf)

        for j in range(nbuf - 1):
            start_gather(j, j)
        step(0, 0, False, True)

        n_mid = n_chunks - nbuf
        n_loop = (n_mid // nbuf) * nbuf

        @pl.loop(1, 1 + n_loop, step=nbuf)
        def _(c):
            for j in range(nbuf):
                step(c + j, (1 + j) % nbuf, True, True)

        for c in range(1 + n_loop, n_chunks - nbuf + 1):
            step(c, c % nbuf, True, True)
        for c in range(n_chunks - nbuf + 1, n_chunks):
            step(c, c % nbuf, False, False)
        for c in range(n_chunks - nbuf, n_chunks):
            wait_out(c, c % nbuf)

    return k


@jax.jit
def kernel(token_positions, positional_embeddings):
    b, s = token_positions.shape
    v, d = positional_embeddings.shape
    n = b * s
    b_per_w = n // _NW
    idx = token_positions.astype(jnp.int32).reshape(_NW, b_per_w // _CH, _CH)
    out = _gather_kernel(n, d, b_per_w, _CH, _NBUF)(idx, positional_embeddings)
    return out.reshape(b, s, d)

# --- scband reference (transcript-rebuilt; emitter-appended) ---
"""Pipeline reference for scband-sinusoidal-positional-encoding-48455821033771 (READ-ONLY COPY).

The authoritative reference and input builder live on the scoring server;
editing this copy changes nothing except your own understanding.
"""

import jax, jax.numpy as jnp
import numpy as np

D_MODEL = 2048
MAX_SEQ_LEN = 8192

def _build_pe_table(max_seq_len, d_model):
    rows = jnp.arange(max_seq_len, dtype=jnp.float32)[:, None]
    even_cols = jnp.arange(0, d_model, 2, dtype=jnp.float32)[None, :]
    odd_cols = jnp.arange(1, d_model, 2, dtype=jnp.float32)[None, :]
    pe = jnp.zeros((max_seq_len, d_model), dtype=jnp.float32)
    pe = pe.at[:, 0::2].set(jnp.sin(rows / jnp.power(10000.0, even_cols / d_model)))
    pe = pe.at[:, 1::2].set(jnp.cos(rows / jnp.power(10000.0, (odd_cols - 1.0) / d_model)))
    return pe

def setup_inputs(seed: int = 0) -> dict:
    key = jax.random.key(seed)
    k1, _ = jax.random.split(key)
    token_positions = jax.random.randint(k1, (4, 8192), 0, MAX_SEQ_LEN, dtype=jnp.int64 if jax.config.jax_enable_x64 else jnp.int32)
    positional_embeddings = _build_pe_table(MAX_SEQ_LEN, D_MODEL)
    return {"token_positions": token_positions, "positional_embeddings": positional_embeddings}

def reference(token_positions, positional_embeddings):
    return jnp.take(positional_embeddings, token_positions, axis=0)

if __name__ == "__main__":
    import jax
    _d = setup_inputs()
    print(jax.jit(kernel)(*tuple(_d.values())))

</pallas_src>

<mosaic_0001>
#map = affine_map<(d0, d1) -> (0, 0, 0)>
#map1 = affine_map<(d0, d1) -> (0, 0)>
module attributes {stable_mosaic.version = 14 : i64} {
  func.func @k(%arg0: i32, %arg1: i32, %arg2: memref<32x64x16xi32, #tpu.memory_space<hbm>>, %arg3: memref<8192x2048xf32, #tpu.memory_space<hbm>>, %arg4: memref<32768x2048xf32, #tpu.memory_space<hbm>>, %arg5: memref<64x16xi32, #tpu.memory_space<vmem>>, %arg6: memref<16x2048xf32, #tpu.memory_space<vmem>>, %arg7: memref<16x2048xf32, #tpu.memory_space<vmem>>, %arg8: memref<16x2048xf32, #tpu.memory_space<vmem>>, %arg9: memref<!tpu.dma_semaphore, #tpu.memory_space<semaphore_mem>>, %arg10: memref<!tpu.dma_semaphore, #tpu.memory_space<semaphore_mem>>, %arg11: memref<!tpu.dma_semaphore, #tpu.memory_space<semaphore_mem>>, %arg12: memref<!tpu.dma_semaphore, #tpu.memory_space<semaphore_mem>>, %arg13: memref<!tpu.dma_semaphore, #tpu.memory_space<semaphore_mem>>, %arg14: memref<!tpu.dma_semaphore, #tpu.memory_space<semaphore_mem>>) attributes {dimension_semantics = [#tpu.dimension_semantics<core_parallel>, #tpu.dimension_semantics<subcore_parallel>], iteration_bounds = array<i64: 2, 16>, scalar_prefetch = 0 : i64, scratch_operands = 10 : i64, tpu.core_type = #tpu.core_type<sc_vector_subcore>, window_params = [{transform_indices = #map}, {transform_indices = #map1}, {transform_indices = #map1}]} {
    %mul3A = arith.constant 2 : i32
    %mul3A_0 = arith.muli %arg1, %mul3A : i32
    %add3A = arith.addi %mul3A_0, %arg0 : i32
    %mul3A_1 = arith.constant 1024 : i32
    %mul3A_2 = arith.muli %add3A, %mul3A_1 : i32
    "tpu.region"() ({
      %run_scoped3A = tpu.sem_alloc : memref<!tpu.dma_semaphore, #tpu.memory_space<semaphore_mem>>
      %dma_start3A_109 = arith.constant 0 : i32
      %dma_start3A_110 = arith.constant 0 : i32
      %dma_start3A_111 = tpu.memref_slice %arg2[%add3A, %dma_start3A_109, %dma_start3A_110] : memref<32x64x16xi32, #tpu.memory_space<hbm>> -> memref<1x64x16xi32, #tpu.memory_space<hbm>>
      %dma_start3A_112 = tpu.memref_squeeze %dma_start3A_111 : memref<1x64x16xi32, #tpu.memory_space<hbm>> -> memref<64x16xi32, #tpu.memory_space<hbm>>
      %dma_start3A_113 = arith.constant 0 : i32
      %dma_start3A_114 = arith.constant 0 : i32
      %dma_start3A_115 = tpu.memref_slice %arg2[%add3A, %dma_start3A_113, %dma_start3A_114] : memref<32x64x16xi32, #tpu.memory_space<hbm>> -> memref<1x64x16xi32, #tpu.memory_space<hbm>>
      %dma_start3A_116 = tpu.memref_squeeze %dma_start3A_115 : memref<1x64x16xi32, #tpu.memory_space<hbm>> -> memref<64x16xi32, #tpu.memory_space<hbm>>
      tpu.enqueue_dma source(%dma_start3A_116 : memref<64x16xi32, #tpu.memory_space<hbm>>) target(%arg5 : memref<64x16xi32, #tpu.memory_space<vmem>>) target_semaphore(%run_scoped3A : memref<!tpu.dma_semaphore, #tpu.memory_space<semaphore_mem>>)
      %dma_wait3A_117 = arith.constant 0 : i32
      %dma_wait3A_118 = arith.constant 0 : i32
      %dma_wait3A_119 = tpu.memref_slice %arg2[%add3A, %dma_wait3A_117, %dma_wait3A_118] : memref<32x64x16xi32, #tpu.memory_space<hbm>> -> memref<1x64x16xi32, #tpu.memory_space<hbm>>
      %dma_wait3A_120 = tpu.memref_squeeze %dma_wait3A_119 : memref<1x64x16xi32, #tpu.memory_space<hbm>> -> memref<64x16xi32, #tpu.memory_space<hbm>>
      %dma_wait3A_121 = arith.constant 0 : i32
      %dma_wait3A_122 = arith.constant 0 : i32
      %dma_wait3A_123 = tpu.memref_slice %arg2[%add3A, %dma_wait3A_121, %dma_wait3A_122] : memref<32x64x16xi32, #tpu.memory_space<hbm>> -> memref<1x64x16xi32, #tpu.memory_space<hbm>>
      %dma_wait3A_124 = tpu.memref_squeeze %dma_wait3A_123 : memref<1x64x16xi32, #tpu.memory_space<hbm>> -> memref<64x16xi32, #tpu.memory_space<hbm>>
      tpu.wait_dma2 semaphore(%run_scoped3A : memref<!tpu.dma_semaphore, #tpu.memory_space<semaphore_mem>>) src(%dma_wait3A_124 : memref<64x16xi32, #tpu.memory_space<hbm>>) dst(%arg5 : memref<64x16xi32, #tpu.memory_space<vmem>>)
      tpu.yield
    }) : () -> ()
    %dma_start3A = arith.constant 0 : i32
    %dma_start3A_3 = arith.constant 0 : i32
    %dma_start3A_4 = tpu.memref_slice %arg5[%dma_start3A, %dma_start3A_3] : memref<64x16xi32, #tpu.memory_space<vmem>> -> memref<1x16xi32, #tpu.memory_space<vmem>>
    %dma_start3A_5 = tpu.memref_squeeze %dma_start3A_4 : memref<1x16xi32, #tpu.memory_space<vmem>> -> memref<16xi32, #tpu.memory_space<vmem>>
    %dma_start3A_6 = arith.constant 0 : i32
    %dma_start3A_7 = arith.constant 0 : i32
    %dma_start3A_8 = tpu.memref_slice %arg3[%dma_start3A_6, %dma_start3A_7] : memref<8192x2048xf32, #tpu.memory_space<hbm>> -> memref<8192x2048xf32, #tpu.memory_space<hbm>>
    tpu.enqueue_indirect_dma source(%dma_start3A_8 : memref<8192x2048xf32, #tpu.memory_space<hbm>>) target(%arg6 : memref<16x2048xf32, #tpu.memory_space<vmem>>) offsets(%dma_start3A_5 : memref<16xi32, #tpu.memory_space<vmem>>) semaphore(%arg9 : memref<!tpu.dma_semaphore, #tpu.memory_space<semaphore_mem>>)
    %dma_start3A_9 = arith.constant 1 : i32
    %dma_start3A_10 = arith.constant 0 : i32
    %dma_start3A_11 = tpu.memref_slice %arg5[%dma_start3A_9, %dma_start3A_10] : memref<64x16xi32, #tpu.memory_space<vmem>> -> memref<1x16xi32, #tpu.memory_space<vmem>>
    %dma_start3A_12 = tpu.memref_squeeze %dma_start3A_11 : memref<1x16xi32, #tpu.memory_space<vmem>> -> memref<16xi32, #tpu.memory_space<vmem>>
    %dma_start3A_13 = arith.constant 0 : i32
    %dma_start3A_14 = arith.constant 0 : i32
    %dma_start3A_15 = tpu.memref_slice %arg3[%dma_start3A_13, %dma_start3A_14] : memref<8192x2048xf32, #tpu.memory_space<hbm>> -> memref<8192x2048xf32, #tpu.memory_space<hbm>>
    tpu.enqueue_indirect_dma source(%dma_start3A_15 : memref<8192x2048xf32, #tpu.memory_space<hbm>>) target(%arg7 : memref<16x2048xf32, #tpu.memory_space<vmem>>) offsets(%dma_start3A_12 : memref<16xi32, #tpu.memory_space<vmem>>) semaphore(%arg10 : memref<!tpu.dma_semaphore, #tpu.memory_space<semaphore_mem>>)
    %dma_wait3A = arith.constant 0 : i32
    %dma_wait3A_16 = arith.constant 0 : i32
    %dma_wait3A_17 = tpu.memref_slice %arg5[%dma_wait3A, %dma_wait3A_16] : memref<64x16xi32, #tpu.memory_space<vmem>> -> memref<1x16xi32, #tpu.memory_space<vmem>>
    %dma_wait3A_18 = tpu.memref_squeeze %dma_wait3A_17 : memref<1x16xi32, #tpu.memory_space<vmem>> -> memref<16xi32, #tpu.memory_space<vmem>>
    %dma_wait3A_19 = arith.constant 0 : i32
    %dma_wait3A_20 = arith.constant 0 : i32
    %dma_wait3A_21 = tpu.memref_slice %arg3[%dma_wait3A_19, %dma_wait3A_20] : memref<8192x2048xf32, #tpu.memory_space<hbm>> -> memref<8192x2048xf32, #tpu.memory_space<hbm>>
    tpu.wait_indirect_dma semaphore(%arg9 : memref<!tpu.dma_semaphore, #tpu.memory_space<semaphore_mem>>) src(%dma_wait3A_21 : memref<8192x2048xf32, #tpu.memory_space<hbm>>) dst(%arg6 : memref<16x2048xf32, #tpu.memory_space<vmem>>)
    %add3A_22 = arith.constant 0 : i32
    %add3A_23 = arith.addi %mul3A_2, %add3A_22 : i32
    %dma_start3A_24 = arith.constant 0 : i32
    %dma_start3A_25 = tpu.memref_slice %arg4[%add3A_23, %dma_start3A_24] : memref<32768x2048xf32, #tpu.memory_space<hbm>> -> memref<16x2048xf32, #tpu.memory_space<hbm>>
    %dma_start3A_26 = arith.constant 0 : i32
    %dma_start3A_27 = tpu.memref_slice %arg4[%add3A_23, %dma_start3A_26] : memref<32768x2048xf32, #tpu.memory_space<hbm>> -> memref<16x2048xf32, #tpu.memory_space<hbm>>
    tpu.enqueue_dma source(%arg6 : memref<16x2048xf32, #tpu.memory_space<vmem>>) target(%dma_start3A_27 : memref<16x2048xf32, #tpu.memory_space<hbm>>) target_semaphore(%arg12 : memref<!tpu.dma_semaphore, #tpu.memory_space<semaphore_mem>>)
    %dma_start3A_28 = arith.constant 2 : i32
    %dma_start3A_29 = arith.constant 0 : i32
    %dma_start3A_30 = tpu.memref_slice %arg5[%dma_start3A_28, %dma_start3A_29] : memref<64x16xi32, #tpu.memory_space<vmem>> -> memref<1x16xi32, #tpu.memory_space<vmem>>
    %dma_start3A_31 = tpu.memref_squeeze %dma_start3A_30 : memref<1x16xi32, #tpu.memory_space<vmem>> -> memref<16xi32, #tpu.memory_space<vmem>>
    %dma_start3A_32 = arith.constant 0 : i32
    %dma_start3A_33 = arith.constant 0 : i32
    %dma_start3A_34 = tpu.memref_slice %arg3[%dma_start3A_32, %dma_start3A_33] : memref<8192x2048xf32, #tpu.memory_space<hbm>> -> memref<8192x2048xf32, #tpu.memory_space<hbm>>
    tpu.enqueue_indirect_dma source(%dma_start3A_34 : memref<8192x2048xf32, #tpu.memory_space<hbm>>) target(%arg8 : memref<16x2048xf32, #tpu.memory_space<vmem>>) offsets(%dma_start3A_31 : memref<16xi32, #tpu.memory_space<vmem>>) semaphore(%arg11 : memref<!tpu.dma_semaphore, #tpu.memory_space<semaphore_mem>>)
    %scan3A = arith.constant 0 : i32
    %scan3A_35 = arith.constant 20 : i32
    %scan3A_36 = arith.addi %scan3A, %scan3A_35 : i32
    %scan3A_37 = arith.constant 1 : i32
    scf.for %scan3A_109 = %scan3A to %scan3A_36 step %scan3A_37  : i32 {
      %mul3A_110 = arith.constant 3 : i32
      %mul3A_111 = arith.muli %scan3A_109, %mul3A_110 : i32
      %add3A_112 = arith.constant 1 : i32
      %add3A_113 = arith.addi %add3A_112, %mul3A_111 : i32
      %add3A_114 = arith.constant 0 : i32
      %add3A_115 = arith.addi %add3A_113, %add3A_114 : i32
      %dma_wait3A_116 = arith.constant 0 : i32
      %dma_wait3A_117 = tpu.memref_slice %arg5[%add3A_115, %dma_wait3A_116] : memref<64x16xi32, #tpu.memory_space<vmem>> -> memref<1x16xi32, #tpu.memory_space<vmem>>
      %dma_wait3A_118 = tpu.memref_squeeze %dma_wait3A_117 : memref<1x16xi32, #tpu.memory_space<vmem>> -> memref<16xi32, #tpu.memory_space<vmem>>
      %dma_wait3A_119 = arith.constant 0 : i32
      %dma_wait3A_120 = arith.constant 0 : i32
      %dma_wait3A_121 = tpu.memref_slice %arg3[%dma_wait3A_119, %dma_wait3A_120] : memref<8192x2048xf32, #tpu.memory_space<hbm>> -> memref<8192x2048xf32, #tpu.memory_space<hbm>>
      tpu.wait_indirect_dma semaphore(%arg10 : memref<!tpu.dma_semaphore, #tpu.memory_space<semaphore_mem>>) src(%dma_wait3A_121 : memref<8192x2048xf32, #tpu.memory_space<hbm>>) dst(%arg7 : memref<16x2048xf32, #tpu.memory_space<vmem>>)
      %mul3A_122 = arith.constant 16 : i32
      %mul3A_123 = arith.muli %add3A_115, %mul3A_122 : i32
      %add3A_124 = arith.addi %mul3A_2, %mul3A_123 : i32
      %dma_start3A_125 = arith.constant 0 : i32
      %dma_start3A_126 = tpu.memref_slice %arg4[%add3A_124, %dma_start3A_125] : memref<32768x2048xf32, #tpu.memory_space<hbm>> -> memref<16x2048xf32, #tpu.memory_space<hbm>>
      %dma_start3A_127 = arith.constant 0 : i32
      %dma_start3A_128 = tpu.memref_slice %arg4[%add3A_124, %dma_start3A_127] : memref<32768x2048xf32, #tpu.memory_space<hbm>> -> memref<16x2048xf32, #tpu.memory_space<hbm>>
      tpu.enqueue_dma source(%arg7 : memref<16x2048xf32, #tpu.memory_space<vmem>>) target(%dma_start3A_128 : memref<16x2048xf32, #tpu.memory_space<hbm>>) target_semaphore(%arg13 : memref<!tpu.dma_semaphore, #tpu.memory_space<semaphore_mem>>)
      %sub3A = arith.constant 1 : i32
      %sub3A_129 = arith.subi %add3A_115, %sub3A : i32
      %mul3A_130 = arith.constant 16 : i32
      %mul3A_131 = arith.muli %sub3A_129, %mul3A_130 : i32
      %add3A_132 = arith.addi %mul3A_2, %mul3A_131 : i32
      %dma_wait3A_133 = arith.constant 0 : i32
      %dma_wait3A_134 = tpu.memref_slice %arg4[%add3A_132, %dma_wait3A_133] : memref<32768x2048xf32, #tpu.memory_space<hbm>> -> memref<16x2048xf32, #tpu.memory_space<hbm>>
      %dma_wait3A_135 = arith.constant 0 : i32
      %dma_wait3A_136 = tpu.memref_slice %arg4[%add3A_132, %dma_wait3A_135] : memref<32768x2048xf32, #tpu.memory_space<hbm>> -> memref<16x2048xf32, #tpu.memory_space<hbm>>
      tpu.wait_dma2 semaphore(%arg12 : memref<!tpu.dma_semaphore, #tpu.memory_space<semaphore_mem>>) src(%arg6 : memref<16x2048xf32, #tpu.memory_space<vmem>>) dst(%dma_wait3A_136 : memref<16x2048xf32, #tpu.memory_space<hbm>>)
      %add3A_137 = arith.constant 3 : i32
      %add3A_138 = arith.addi %add3A_115, %add3A_137 : i32
      %sub3A_139 = arith.constant 1 : i32
      %sub3A_140 = arith.subi %add3A_138, %sub3A_139 : i32
      %dma_start3A_141 = arith.constant 0 : i32
      %dma_start3A_142 = tpu.memref_slice %arg5[%sub3A_140, %dma_start3A_141] : memref<64x16xi32, #tpu.memory_space<vmem>> -> memref<1x16xi32, #tpu.memory_space<vmem>>
      %dma_start3A_143 = tpu.memref_squeeze %dma_start3A_142 : memref<1x16xi32, #tpu.memory_space<vmem>> -> memref<16xi32, #tpu.memory_space<vmem>>
      %dma_start3A_144 = arith.constant 0 : i32
      %dma_start3A_145 = arith.constant 0 : i32
      %dma_start3A_146 = tpu.memref_slice %arg3[%dma_start3A_144, %dma_start3A_145] : memref<8192x2048xf32, #tpu.memory_space<hbm>> -> memref<8192x2048xf32, #tpu.memory_space<hbm>>
      tpu.enqueue_indirect_dma source(%dma_start3A_146 : memref<8192x2048xf32, #tpu.memory_space<hbm>>) target(%arg6 : memref<16x2048xf32, #tpu.memory_space<vmem>>) offsets(%dma_start3A_143 : memref<16xi32, #tpu.memory_space<vmem>>) semaphore(%arg9 : memref<!tpu.dma_semaphore, #tpu.memory_space<semaphore_mem>>)
      %add3A_147 = arith.constant 1 : i32
      %add3A_148 = arith.addi %add3A_113, %add3A_147 : i32
      %dma_wait3A_149 = arith.constant 0 : i32
      %dma_wait3A_150 = tpu.memref_slice %arg5[%add3A_148, %dma_wait3A_149] : memref<64x16xi32, #tpu.memory_space<vmem>> -> memref<1x16xi32, #tpu.memory_space<vmem>>
      %dma_wait3A_151 = tpu.memref_squeeze %dma_wait3A_150 : memref<1x16xi32, #tpu.memory_space<vmem>> -> memref<16xi32, #tpu.memory_space<vmem>>
      %dma_wait3A_152 = arith.constant 0 : i32
      %dma_wait3A_153 = arith.constant 0 : i32
      %dma_wait3A_154 = tpu.memref_slice %arg3[%dma_wait3A_152, %dma_wait3A_153] : memref<8192x2048xf32, #tpu.memory_space<hbm>> -> memref<8192x2048xf32, #tpu.memory_space<hbm>>
      tpu.wait_indirect_dma semaphore(%arg11 : memref<!tpu.dma_semaphore, #tpu.memory_space<semaphore_mem>>) src(%dma_wait3A_154 : memref<8192x2048xf32, #tpu.memory_space<hbm>>) dst(%arg8 : memref<16x2048xf32, #tpu.memory_space<vmem>>)
      %mul3A_155 = arith.constant 16 : i32
      %mul3A_156 = arith.muli %add3A_148, %mul3A_155 : i32
      %add3A_157 = arith.addi %mul3A_2, %mul3A_156 : i32
      %dma_start3A_158 = arith.constant 0 : i32
      %dma_start3A_159 = tpu.memref_slice %arg4[%add3A_157, %dma_start3A_158] : memref<32768x2048xf32, #tpu.memory_space<hbm>> -> memref<16x2048xf32, #tpu.memory_space<hbm>>
      %dma_start3A_160 = arith.constant 0 : i32
      %dma_start3A_161 = tpu.memref_slice %arg4[%add3A_157, %dma_start3A_160] : memref<32768x2048xf32, #tpu.memory_space<hbm>> -> memref<16x2048xf32, #tpu.memory_space<hbm>>
      tpu.enqueue_dma source(%arg8 : memref<16x2048xf32, #tpu.memory_space<vmem>>) target(%dma_start3A_161 : memref<16x2048xf32, #tpu.memory_space<hbm>>) target_semaphore(%arg14 : memref<!tpu.dma_semaphore, #tpu.memory_space<semaphore_mem>>)
      %sub3A_162 = arith.constant 1 : i32
      %sub3A_163 = arith.subi %add3A_148, %sub3A_162 : i32
      %mul3A_164 = arith.constant 16 : i32
      %mul3A_165 = arith.muli %sub3A_163, %mul3A_164 : i32
      %add3A_166 = arith.addi %mul3A_2, %mul3A_165 : i32
      %dma_wait3A_167 = arith.constant 0 : i32
      %dma_wait3A_168 = tpu.memref_slice %arg4[%add3A_166, %dma_wait3A_167] : memref<32768x2048xf32, #tpu.memory_space<hbm>> -> memref<16x2048xf32, #tpu.memory_space<hbm>>
      %dma_wait3A_169 = arith.constant 0 : i32
      %dma_wait3A_170 = tpu.memref_slice %arg4[%add3A_166, %dma_wait3A_169] : memref<32768x2048xf32, #tpu.memory_space<hbm>> -> memref<16x2048xf32, #tpu.memory_space<hbm>>
      tpu.wait_dma2 semaphore(%arg13 : memref<!tpu.dma_semaphore, #tpu.memory_space<semaphore_mem>>) src(%arg7 : memref<16x2048xf32, #tpu.memory_space<vmem>>) dst(%dma_wait3A_170 : memref<16x2048xf32, #tpu.memory_space<hbm>>)
      %add3A_171 = arith.constant 3 : i32
      %add3A_172 = arith.addi %add3A_148, %add3A_171 : i32
      %sub3A_173 = arith.constant 1 : i32
      %sub3A_174 = arith.subi %add3A_172, %sub3A_173 : i32
      %dma_start3A_175 = arith.constant 0 : i32
      %dma_start3A_176 = tpu.memref_slice %arg5[%sub3A_174, %dma_start3A_175] : memref<64x16xi32, #tpu.memory_space<vmem>> -> memref<1x16xi32, #tpu.memory_space<vmem>>
      %dma_start3A_177 = tpu.memref_squeeze %dma_start3A_176 : memref<1x16xi32, #tpu.memory_space<vmem>> -> memref<16xi32, #tpu.memory_space<vmem>>
      %dma_start3A_178 = arith.constant 0 : i32
      %dma_start3A_179 = arith.constant 0 : i32
      %dma_start3A_180 = tpu.memref_slice %arg3[%dma_start3A_178, %dma_start3A_179] : memref<8192x2048xf32, #tpu.memory_space<hbm>> -> memref<8192x2048xf32, #tpu.memory_space<hbm>>
      tpu.enqueue_indirect_dma source(%dma_start3A_180 : memref<8192x2048xf32, #tpu.memory_space<hbm>>) target(%arg7 : memref<16x2048xf32, #tpu.memory_space<vmem>>) offsets(%dma_start3A_177 : memref<16xi32, #tpu.memory_space<vmem>>) semaphore(%arg10 : memref<!tpu.dma_semaphore, #tpu.memory_space<semaphore_mem>>)
      %add3A_181 = arith.constant 2 : i32
      %add3A_182 = arith.addi %add3A_113, %add3A_181 : i32
      %dma_wait3A_183 = arith.constant 0 : i32
      %dma_wait3A_184 = tpu.memref_slice %arg5[%add3A_182, %dma_wait3A_183] : memref<64x16xi32, #tpu.memory_space<vmem>> -> memref<1x16xi32, #tpu.memory_space<vmem>>
      %dma_wait3A_185 = tpu.memref_squeeze %dma_wait3A_184 : memref<1x16xi32, #tpu.memory_space<vmem>> -> memref<16xi32, #tpu.memory_space<vmem>>
      %dma_wait3A_186 = arith.constant 0 : i32
      %dma_wait3A_187 = arith.constant 0 : i32
      %dma_wait3A_188 = tpu.memref_slice %arg3[%dma_wait3A_186, %dma_wait3A_187] : memref<8192x2048xf32, #tpu.memory_space<hbm>> -> memref<8192x2048xf32, #tpu.memory_space<hbm>>
      tpu.wait_indirect_dma semaphore(%arg9 : memref<!tpu.dma_semaphore, #tpu.memory_space<semaphore_mem>>) src(%dma_wait3A_188 : memref<8192x2048xf32, #tpu.memory_space<hbm>>) dst(%arg6 : memref<16x2048xf32, #tpu.memory_space<vmem>>)
      %mul3A_189 = arith.constant 16 : i32
      %mul3A_190 = arith.muli %add3A_182, %mul3A_189 : i32
      %add3A_191 = arith.addi %mul3A_2, %mul3A_190 : i32
      %dma_start3A_192 = arith.constant 0 : i32
      %dma_start3A_193 = tpu.memref_slice %arg4[%add3A_191, %dma_start3A_192] : memref<32768x2048xf32, #tpu.memory_space<hbm>> -> memref<16x2048xf32, #tpu.memory_space<hbm>>
      %dma_start3A_194 = arith.constant 0 : i32
      %dma_start3A_195 = tpu.memref_slice %arg4[%add3A_191, %dma_start3A_194] : memref<32768x2048xf32, #tpu.memory_space<hbm>> -> memref<16x2048xf32, #tpu.memory_space<hbm>>
      tpu.enqueue_dma source(%arg6 : memref<16x2048xf32, #tpu.memory_space<vmem>>) target(%dma_start3A_195 : memref<16x2048xf32, #tpu.memory_space<hbm>>) target_semaphore(%arg12 : memref<!tpu.dma_semaphore, #tpu.memory_space<semaphore_mem>>)
      %sub3A_196 = arith.constant 1 : i32
      %sub3A_197 = arith.subi %add3A_182, %sub3A_196 : i32
      %mul3A_198 = arith.constant 16 : i32
      %mul3A_199 = arith.muli %sub3A_197, %mul3A_198 : i32
      %add3A_200 = arith.addi %mul3A_2, %mul3A_199 : i32
      %dma_wait3A_201 = arith.constant 0 : i32
      %dma_wait3A_202 = tpu.memref_slice %arg4[%add3A_200, %dma_wait3A_201] : memref<32768x2048xf32, #tpu.memory_space<hbm>> -> memref<16x2048xf32, #tpu.memory_space<hbm>>
      %dma_wait3A_203 = arith.constant 0 : i32
      %dma_wait3A_204 = tpu.memref_slice %arg4[%add3A_200, %dma_wait3A_203] : memref<32768x2048xf32, #tpu.memory_space<hbm>> -> memref<16x2048xf32, #tpu.memory_space<hbm>>
      tpu.wait_dma2 semaphore(%arg14 : memref<!tpu.dma_semaphore, #tpu.memory_space<semaphore_mem>>) src(%arg8 : memref<16x2048xf32, #tpu.memory_space<vmem>>) dst(%dma_wait3A_204 : memref<16x2048xf32, #tpu.memory_space<hbm>>)
      %add3A_205 = arith.constant 3 : i32
      %add3A_206 = arith.addi %add3A_182, %add3A_205 : i32
      %sub3A_207 = arith.constant 1 : i32
      %sub3A_208 = arith.subi %add3A_206, %sub3A_207 : i32
      %dma_start3A_209 = arith.constant 0 : i32
      %dma_start3A_210 = tpu.memref_slice %arg5[%sub3A_208, %dma_start3A_209] : memref<64x16xi32, #tpu.memory_space<vmem>> -> memref<1x16xi32, #tpu.memory_space<vmem>>
      %dma_start3A_211 = tpu.memref_squeeze %dma_start3A_210 : memref<1x16xi32, #tpu.memory_space<vmem>> -> memref<16xi32, #tpu.memory_space<vmem>>
      %dma_start3A_212 = arith.constant 0 : i32
      %dma_start3A_213 = arith.constant 0 : i32
      %dma_start3A_214 = tpu.memref_slice %arg3[%dma_start3A_212, %dma_start3A_213] : memref<8192x2048xf32, #tpu.memory_space<hbm>> -> memref<8192x2048xf32, #tpu.memory_space<hbm>>
      tpu.enqueue_indirect_dma source(%dma_start3A_214 : memref<8192x2048xf32, #tpu.memory_space<hbm>>) target(%arg8 : memref<16x2048xf32, #tpu.memory_space<vmem>>) offsets(%dma_start3A_211 : memref<16xi32, #tpu.memory_space<vmem>>) semaphore(%arg11 : memref<!tpu.dma_semaphore, #tpu.memory_space<semaphore_mem>>)
    }
    %scan3A_38 = arith.constant 20 : i32
    %dma_wait3A_39 = arith.constant 61 : i32
    %dma_wait3A_40 = arith.constant 0 : i32
    %dma_wait3A_41 = tpu.memref_slice %arg5[%dma_wait3A_39, %dma_wait3A_40] : memref<64x16xi32, #tpu.memory_space<vmem>> -> memref<1x16xi32, #tpu.memory_space<vmem>>
    %dma_wait3A_42 = tpu.memref_squeeze %dma_wait3A_41 : memref<1x16xi32, #tpu.memory_space<vmem>> -> memref<16xi32, #tpu.memory_space<vmem>>
    %dma_wait3A_43 = arith.constant 0 : i32
    %dma_wait3A_44 = arith.constant 0 : i32
    %dma_wait3A_45 = tpu.memref_slice %arg3[%dma_wait3A_43, %dma_wait3A_44] : memref<8192x2048xf32, #tpu.memory_space<hbm>> -> memref<8192x2048xf32, #tpu.memory_space<hbm>>
    tpu.wait_indirect_dma semaphore(%arg10 : memref<!tpu.dma_semaphore, #tpu.memory_space<semaphore_mem>>) src(%dma_wait3A_45 : memref<8192x2048xf32, #tpu.memory_space<hbm>>) dst(%arg7 : memref<16x2048xf32, #tpu.memory_space<vmem>>)
    %add3A_46 = arith.constant 976 : i32
    %add3A_47 = arith.addi %mul3A_2, %add3A_46 : i32
    %dma_start3A_48 = arith.constant 0 : i32
    %dma_start3A_49 = tpu.memref_slice %arg4[%add3A_47, %dma_start3A_48] : memref<32768x2048xf32, #tpu.memory_space<hbm>> -> memref<16x2048xf32, #tpu.memory_space<hbm>>
    %dma_start3A_50 = arith.constant 0 : i32
    %dma_start3A_51 = tpu.memref_slice %arg4[%add3A_47, %dma_start3A_50] : memref<32768x2048xf32, #tpu.memory_space<hbm>> -> memref<16x2048xf32, #tpu.memory_space<hbm>>
    tpu.enqueue_dma source(%arg7 : memref<16x2048xf32, #tpu.memory_space<vmem>>) target(%dma_start3A_51 : memref<16x2048xf32, #tpu.memory_space<hbm>>) target_semaphore(%arg13 : memref<!tpu.dma_semaphore, #tpu.memory_space<semaphore_mem>>)
    %add3A_52 = arith.constant 960 : i32
    %add3A_53 = arith.addi %mul3A_2, %add3A_52 : i32
    %dma_wait3A_54 = arith.constant 0 : i32
    %dma_wait3A_55 = tpu.memref_slice %arg4[%add3A_53, %dma_wait3A_54] : memref<32768x2048xf32, #tpu.memory_space<hbm>> -> memref<16x2048xf32, #tpu.memory_space<hbm>>
    %dma_wait3A_56 = arith.constant 0 : i32
    %dma_wait3A_57 = tpu.memref_slice %arg4[%add3A_53, %dma_wait3A_56] : memref<32768x2048xf32, #tpu.memory_space<hbm>> -> memref<16x2048xf32, #tpu.memory_space<hbm>>
    tpu.wait_dma2 semaphore(%arg12 : memref<!tpu.dma_semaphore, #tpu.memory_space<semaphore_mem>>) src(%arg6 : memref<16x2048xf32, #tpu.memory_space<vmem>>) dst(%dma_wait3A_57 : memref<16x2048xf32, #tpu.memory_space<hbm>>)
    %dma_start3A_58 = arith.constant 63 : i32
    %dma_start3A_59 = arith.constant 0 : i32
    %dma_start3A_60 = tpu.memref_slice %arg5[%dma_start3A_58, %dma_start3A_59] : memref<64x16xi32, #tpu.memory_space<vmem>> -> memref<1x16xi32, #tpu.memory_space<vmem>>
    %dma_start3A_61 = tpu.memref_squeeze %dma_start3A_60 : memref<1x16xi32, #tpu.memory_space<vmem>> -> memref<16xi32, #tpu.memory_space<vmem>>
    %dma_start3A_62 = arith.constant 0 : i32
    %dma_start3A_63 = arith.constant 0 : i32
    %dma_start3A_64 = tpu.memref_slice %arg3[%dma_start3A_62, %dma_start3A_63] : memref<8192x2048xf32, #tpu.memory_space<hbm>> -> memref<8192x2048xf32, #tpu.memory_space<hbm>>
    tpu.enqueue_indirect_dma source(%dma_start3A_64 : memref<8192x2048xf32, #tpu.memory_space<hbm>>) target(%arg6 : memref<16x2048xf32, #tpu.memory_space<vmem>>) offsets(%dma_start3A_61 : memref<16xi32, #tpu.memory_space<vmem>>) semaphore(%arg9 : memref<!tpu.dma_semaphore, #tpu.memory_space<semaphore_mem>>)
    %dma_wait3A_65 = arith.constant 62 : i32
    %dma_wait3A_66 = arith.constant 0 : i32
    %dma_wait3A_67 = tpu.memref_slice %arg5[%dma_wait3A_65, %dma_wait3A_66] : memref<64x16xi32, #tpu.memory_space<vmem>> -> memref<1x16xi32, #tpu.memory_space<vmem>>
    %dma_wait3A_68 = tpu.memref_squeeze %dma_wait3A_67 : memref<1x16xi32, #tpu.memory_space<vmem>> -> memref<16xi32, #tpu.memory_space<vmem>>
    %dma_wait3A_69 = arith.constant 0 : i32
    %dma_wait3A_70 = arith.constant 0 : i32
    %dma_wait3A_71 = tpu.memref_slice %arg3[%dma_wait3A_69, %dma_wait3A_70] : memref<8192x2048xf32, #tpu.memory_space<hbm>> -> memref<8192x2048xf32, #tpu.memory_space<hbm>>
    tpu.wait_indirect_dma semaphore(%arg11 : memref<!tpu.dma_semaphore, #tpu.memory_space<semaphore_mem>>) src(%dma_wait3A_71 : memref<8192x2048xf32, #tpu.memory_space<hbm>>) dst(%arg8 : memref<16x2048xf32, #tpu.memory_space<vmem>>)
    %add3A_72 = arith.constant 992 : i32
    %add3A_73 = arith.addi %mul3A_2, %add3A_72 : i32
    %dma_start3A_74 = arith.constant 0 : i32
    %dma_start3A_75 = tpu.memref_slice %arg4[%add3A_73, %dma_start3A_74] : memref<32768x2048xf32, #tpu.memory_space<hbm>> -> memref<16x2048xf32, #tpu.memory_space<hbm>>
    %dma_start3A_76 = arith.constant 0 : i32
    %dma_start3A_77 = tpu.memref_slice %arg4[%add3A_73, %dma_start3A_76] : memref<32768x2048xf32, #tpu.memory_space<hbm>> -> memref<16x2048xf32, #tpu.memory_space<hbm>>
    tpu.enqueue_dma source(%arg8 : memref<16x2048xf32, #tpu.memory_space<vmem>>) target(%dma_start3A_77 : memref<16x2048xf32, #tpu.memory_space<hbm>>) target_semaphore(%arg14 : memref<!tpu.dma_semaphore, #tpu.memory_space<semaphore_mem>>)
    %dma_wait3A_78 = arith.constant 63 : i32
    %dma_wait3A_79 = arith.constant 0 : i32
    %dma_wait3A_80 = tpu.memref_slice %arg5[%dma_wait3A_78, %dma_wait3A_79] : memref<64x16xi32, #tpu.memory_space<vmem>> -> memref<1x16xi32, #tpu.memory_space<vmem>>
    %dma_wait3A_81 = tpu.memref_squeeze %dma_wait3A_80 : memref<1x16xi32, #tpu.memory_space<vmem>> -> memref<16xi32, #tpu.memory_space<vmem>>
    %dma_wait3A_82 = arith.constant 0 : i32
    %dma_wait3A_83 = arith.constant 0 : i32
    %dma_wait3A_84 = tpu.memref_slice %arg3[%dma_wait3A_82, %dma_wait3A_83] : memref<8192x2048xf32, #tpu.memory_space<hbm>> -> memref<8192x2048xf32, #tpu.memory_space<hbm>>
    tpu.wait_indirect_dma semaphore(%arg9 : memref<!tpu.dma_semaphore, #tpu.memory_space<semaphore_mem>>) src(%dma_wait3A_84 : memref<8192x2048xf32, #tpu.memory_space<hbm>>) dst(%arg6 : memref<16x2048xf32, #tpu.memory_space<vmem>>)
    %add3A_85 = arith.constant 1008 : i32
    %add3A_86 = arith.addi %mul3A_2, %add3A_85 : i32
    %dma_start3A_87 = arith.constant 0 : i32
    %dma_start3A_88 = tpu.memref_slice %arg4[%add3A_86, %dma_start3A_87] : memref<32768x2048xf32, #tpu.memory_space<hbm>> -> memref<16x2048xf32, #tpu.memory_space<hbm>>
    %dma_start3A_89 = arith.constant 0 : i32
    %dma_start3A_90 = tpu.memref_slice %arg4[%add3A_86, %dma_start3A_89] : memref<32768x2048xf32, #tpu.memory_space<hbm>> -> memref<16x2048xf32, #tpu.memory_space<hbm>>
    tpu.enqueue_dma source(%arg6 : memref<16x2048xf32, #tpu.memory_space<vmem>>) target(%dma_start3A_90 : memref<16x2048xf32, #tpu.memory_space<hbm>>) target_semaphore(%arg12 : memref<!tpu.dma_semaphore, #tpu.memory_space<semaphore_mem>>)
    %add3A_91 = arith.constant 976 : i32
    %add3A_92 = arith.addi %mul3A_2, %add3A_91 : i32
    %dma_wait3A_93 = arith.constant 0 : i32
    %dma_wait3A_94 = tpu.memref_slice %arg4[%add3A_92, %dma_wait3A_93] : memref<32768x2048xf32, #tpu.memory_space<hbm>> -> memref<16x2048xf32, #tpu.memory_space<hbm>>
    %dma_wait3A_95 = arith.constant 0 : i32
    %dma_wait3A_96 = tpu.memref_slice %arg4[%add3A_92, %dma_wait3A_95] : memref<32768x2048xf32, #tpu.memory_space<hbm>> -> memref<16x2048xf32, #tpu.memory_space<hbm>>
    tpu.wait_dma2 semaphore(%arg13 : memref<!tpu.dma_semaphore, #tpu.memory_space<semaphore_mem>>) src(%arg7 : memref<16x2048xf32, #tpu.memory_space<vmem>>) dst(%dma_wait3A_96 : memref<16x2048xf32, #tpu.memory_space<hbm>>)
    %add3A_97 = arith.constant 992 : i32
    %add3A_98 = arith.addi %mul3A_2, %add3A_97 : i32
    %dma_wait3A_99 = arith.constant 0 : i32
    %dma_wait3A_100 = tpu.memref_slice %arg4[%add3A_98, %dma_wait3A_99] : memref<32768x2048xf32, #tpu.memory_space<hbm>> -> memref<16x2048xf32, #tpu.memory_space<hbm>>
    %dma_wait3A_101 = arith.constant 0 : i32
    %dma_wait3A_102 = tpu.memref_slice %arg4[%add3A_98, %dma_wait3A_101] : memref<32768x2048xf32, #tpu.memory_space<hbm>> -> memref<16x2048xf32, #tpu.memory_space<hbm>>
    tpu.wait_dma2 semaphore(%arg14 : memref<!tpu.dma_semaphore, #tpu.memory_space<semaphore_mem>>) src(%arg8 : memref<16x2048xf32, #tpu.memory_space<vmem>>) dst(%dma_wait3A_102 : memref<16x2048xf32, #tpu.memory_space<hbm>>)
    %add3A_103 = arith.constant 1008 : i32
    %add3A_104 = arith.addi %mul3A_2, %add3A_103 : i32
    %dma_wait3A_105 = arith.constant 0 : i32
    %dma_wait3A_106 = tpu.memref_slice %arg4[%add3A_104, %dma_wait3A_105] : memref<32768x2048xf32, #tpu.memory_space<hbm>> -> memref<16x2048xf32, #tpu.memory_space<hbm>>
    %dma_wait3A_107 = arith.constant 0 : i32
    %dma_wait3A_108 = tpu.memref_slice %arg4[%add3A_104, %dma_wait3A_107] : memref<32768x2048xf32, #tpu.memory_space<hbm>> -> memref<16x2048xf32, #tpu.memory_space<hbm>>
    tpu.wait_dma2 semaphore(%arg12 : memref<!tpu.dma_semaphore, #tpu.memory_space<semaphore_mem>>) src(%arg6 : memref<16x2048xf32, #tpu.memory_space<vmem>>) dst(%dma_wait3A_108 : memref<16x2048xf32, #tpu.memory_space<hbm>>)
    return
  }
}

</mosaic_0001>

<sc_bundles>
// kernel: kernel.3.cloned.1.call-start
scs
__scs_entry_jumppad:
0x0: {  	(pc) =	sbr.rel $0x88, $3  }
0x1: {  	(tag) =	ssettag $0x0;
	lr =	simm.s32 $0x1  }
0x2: {  	[smem:$0x3F9F] =	sst lr;
	_ =	strace $0xD0000000  }
0x3: {  	_ = 	snop  }
0x4: {  	_ = 	snop  }
0x5: {  	_ = 	snop  }
0x6: {  	_ = 	snop  }
0x7: {  	_ = 	snop  }
__scs_overlays_trampoline_lowered:
0x8: {  	[smem:$0x3FAE] =	sst s0  }
0x9: {  	[smem:$0x3FAF] =	sst s1  }
0xa: {  	[smem:$0x3FB0] =	sst s2  }
0xb: {  	[smem:$0x3FB1] =	sst s3  }
0xc: {  	[smem:$0x3FB2] =	sst s4  }
0xd: {  	[smem:$0x3FB3] =	sst s5  }
0xe: {  	[smem:$0x3FB4] =	sst s6  }
0xf: {  	[smem:$0x3FB5] =	sst s7  }
0x10: {  	[smem:$0x3FB6] =	sst s8  }
0x11: {  	[smem:$0x3FB7] =	sst s9;
	s0 =	simm.s32 @!p0 $0x0  }
0x12: {  	s1 =	sld [smem:$0x3F9D];
	s0 =	simm.s32 @p0 $0x1  }
0x13: {  	[smem:$0x3FB8] =	sst s0;
	s0 =	simm.s32 @!p1 $0x0  }
0x14: {  	s2 =	sld [smem:$0x3F9C];
	s0 =	simm.s32 @p1 $0x1  }
0x15: {  	[smem:$0x3FB9] =	sst s0;
	s0 =	simm.s32 @!p2 $0x0  }
0x16: {  	s3 =	sld [smem:$0x3FDB];
	s0 =	simm.s32 @p2 $0x1  }
0x17: {  	s4 =	simm.s32 $0x1BF5;
	[smem:$0x3FBB] =	sst s0  }
0x18: {  	s0 =	sld [smem:$0x3F9E];
	_ =	swait.ge [sflag:s4], $0x0  }
0x19: {  	s7 =	sld [smem:$0x3F9F]  }
0x1a: {  	s8 =	sadd.s32 $0xFFFFE003, lr  }
0x1b: {  	s9 =	sadd.s32 $0xFFFFFEF7, lr;
	s5 =	simm.s32 $0xFFFFFFFF;
	p2 =	slt.u32 s8, $0xFFFFF086  }
0x1c: {  	p1 =	slt.u32 s9, $0xF7A;
	s5 =	simm.s32 @!p2 $0x0  }
0x1d: {  	s5 =	simm.s32 @p1 $0x1;
	p0 =	seq.s32 s7, s2  }
0x1e: {  	s7 =	smul.u32 @!p0 $0xF7A, s2;
	p2 =	seq.s32 @!p0 s5, $0x0  }
0x1f: {  	s9 =	smul.u32 $0xF7A, s1;
	s8 =	simm.s32 @!p0 $0x1BF5;
	p2 =	por !p2, p0  }
0x20: {  	[sflag:s8] =	ssyncset.s32 @!p0 $0xFFFFF086;
	s6 =	sadd.s32 @!p0 s3, s7;
	s7 =	simm.s32 @!p0 $0x108  }
0x21: {  	s3 =	sadd.s32 s3, s9;
	s6 =	sadd.s32 @!p0 $0x88, s6;
	s7 =	simm.s32 @p2 $0x1082  }
0x22: {  	[simem:s7], [sflag:s8] =	dma.local @!p0 [hbm:s6], $0xF7A  }
0x23: {  	s9 =	sor.u32 $0xD0000000, s2;
	s6 =	simm.s32 $0x108;
	_ =	swait.ge @!p0 [sflag:s8], $0x0  }
0x24: {  	s3 =	sadd.s32 $0x88, s3;
	s6 =	simm.s32 @!p1 $0x1082;
	[sflag:s4] =	ssyncset.s32 $0xFFFFF086  }
0x25: {  	[simem:s6], [sflag:s4] =	dma.local [hbm:s3], $0xF7A  }
0x26: {  	[smem:$0x3F9F] =	sst s1;
	(tag) =	ssettag s2;
	_ =	strace s9  }
0x27: {  	s1 =	sld [smem:$0x3FAF]  }
0x28: {  	s2 =	sld [smem:$0x3FB0]  }
0x29: {  	s4 =	sld [smem:$0x3FB2]  }
0x2a: {  	p0 =	seq.s32 s5, $0x0;
	s5 =	sld [smem:$0x3FB3]  }
0x2b: {  	s6 =	sld [smem:$0x3FB4]  }
0x2c: {  	s7 =	sld [smem:$0x3FB5]  }
0x2d: {  	s3 =	simm.s32 $0x108;
	s8 =	sld [smem:$0x3FB6]  }
0x2e: {  	s3 =	simm.s32 @!p0 $0x1082;
	s9 =	sld [smem:$0x3FB7]  }
0x2f: {  	lr =	sadd.s32 s0, s3;
	s0 =	sld [smem:$0x3FAE]  }
0x30: {  	s3 =	sld [smem:$0x3FB1]  }
0x31: {  	[smem:$0x3FBA] =	sst s10  }
0x32: {  	s10 =	sld [smem:$0x3FB8];
	_ =	sdelay $0x3  }
0x33: {  	p0 =	seq.s32 s10, $0x1;
	s10 =	sld [smem:$0x3FBA];
	_ =	sdelay $0x3  }
0x34: {  	[smem:$0x3FBA] =	sst s10  }
0x35: {  	s10 =	sld [smem:$0x3FB9];
	_ =	sdelay $0x3  }
0x36: {  	p1 =	seq.s32 s10, $0x1;
	s10 =	sld [smem:$0x3FBA];
	_ =	sdelay $0x3  }
0x37: {  	[smem:$0x3FBA] =	sst s10  }
0x38: {  	s10 =	sld [smem:$0x3FBB]  }
0x39: {  	_ = 	snop;
	(pc) =	sbr.ind lr, $3  }
0x3a: {  	_ = 	snop  }
0x3b: {  	_ = 	snop  }
0x3c: {  	p2 =	seq.s32 s10, $0x1;
	s10 =	sld [smem:$0x3FBA]  }
0x3d: {  	_ =	shalt  }
0x3e: {  	_ =	shalt  }
0x3f: {  	_ =	shalt  }
0x40: {  	_ =	shalt  }
0x41: {  	_ =	shalt  }
0x42: {  	_ =	shalt  }
0x43: {  	_ =	shalt  }
0x44: {  	_ =	shalt  }
0x45: {  	_ =	shalt  }
0x46: {  	_ =	shalt  }
0x47: {  	_ =	shalt  }
0x48: {  	_ =	shalt  }
0x49: {  	_ =	shalt  }
0x4a: {  	_ =	shalt  }
0x4b: {  	_ =	shalt  }
0x4c: {  	_ =	shalt  }
0x4d: {  	_ =	shalt  }
0x4e: {  	_ =	shalt  }
0x4f: {  	_ =	shalt  }
0x50: {  	_ =	shalt  }
0x51: {  	_ =	shalt  }
0x52: {  	_ =	shalt  }
0x53: {  	_ =	shalt  }
0x54: {  	_ =	shalt  }
0x55: {  	_ =	shalt  }
0x56: {  	_ =	shalt  }
0x57: {  	_ =	shalt  }
0x58: {  	_ =	shalt  }
0x59: {  	_ =	shalt  }
0x5a: {  	_ =	shalt  }
0x5b: {  	_ =	shalt  }
0x5c: {  	_ =	shalt  }
0x5d: {  	_ =	shalt  }
0x5e: {  	_ =	shalt  }
0x5f: {  	_ =	shalt  }
0x60: {  	_ =	shalt  }
0x61: {  	_ =	shalt  }
0x62: {  	_ =	shalt  }
0x63: {  	_ =	shalt  }
0x64: {  	_ =	shalt  }
0x65: {  	_ =	shalt  }
0x66: {  	_ =	shalt  }
0x67: {  	_ =	shalt  }
0x68: {  	_ =	shalt  }
0x69: {  	_ =	shalt  }
0x6a: {  	_ =	shalt  }
0x6b: {  	_ =	shalt  }
0x6c: {  	_ =	shalt  }
0x6d: {  	_ =	shalt  }
0x6e: {  	_ =	shalt  }
0x6f: {  	_ =	shalt  }
0x70: {  	_ =	shalt  }
0x71: {  	_ =	shalt  }
0x72: {  	_ =	shalt  }
0x73: {  	_ =	shalt  }
0x74: {  	_ =	shalt  }
0x75: {  	_ =	shalt  }
0x76: {  	_ =	shalt  }
0x77: {  	_ =	shalt  }
0x78: {  	_ =	shalt  }
0x79: {  	_ =	shalt  }
0x7a: {  	_ =	shalt  }
0x7b: {  	_ =	shalt  }
0x7c: {  	_ =	shalt  }
0x7d: {  	_ =	shalt  }
0x7e: {  	_ =	shalt  }
0x7f: {  	_ =	shalt  }
0x80: {  	_ =	shalt  }
0x81: {  	_ =	shalt  }
0x82: {  	_ =	shalt  }
0x83: {  	_ =	shalt  }
0x84: {  	_ =	shalt  }
0x85: {  	_ =	shalt  }
0x86: {  	_ =	shalt  }
0x87: {  	_ =	shalt  }
.Lfunc_end0:
.L_simem_size_0:
called_computation_lowered:
.L_overlay_start_0:
0x88: {  	s2 =	sld [smem:$0x3FD9]  }
0x89: {  	s3 =	sld [smem:$0x3FFE];
	_ =	sdelay $0x1  }
0x8a: {  	s1 =	srdreg.scid  }
0x8b: {  	s0 =	sand.u32 $0x1, s1  }
0x8c: {  	s17 =	sshll.u32 s0, $0xA;
	s2 =	sadd.s32 s3, s2  }
0x8d: {  	s2 =	sadd.s32 s2, s17  }
0x8e: {  	[smem:$0x3FC6] =	sst s2  }
0x8f: {  	_ = 	snop  }
0x90: {  	s2 =	sld [smem:$0x3FC8]  }
0x91: {  	s18 =	sld [smem:$0x3FD0];
	(tm) =	ssettm $0x1  }
0x92: {  	s4 =	sld [smem:$0x3FFB];
	_ =	sdelay $0x3  }
0x93: {  	_ =	strace s4  }
0x94: {  	s4 =	sld [smem:$0x3FFC];
	_ =	sdelay $0x3  }
0x95: {  	_ =	strace s4  }
0x96: {  	s4 =	sld [smem:$0x3FFD];
	_ =	sdelay $0x3  }
0x97: {  	_ =	strace s4  }
0x98: {  	_ =	strace $0x8FFFFFFF  }
0x99: {  	s19 =	sld [smem:$0x3FDB];
	_ =	sdelay $0x1  }
0x9a: {  	s5 =	simm.s32 $_scs_section_size  }
0x9b: {  	s6 =	simm.s32 $_size__tile_overlayer_lowered;
	s7 =	simm.s32 $_tile_overlayer_lowered  }
0x9c: {  	s22 =	simm.s32 $0x1BFF;
	s21 =	sshll.u32 s7, $0x1;
	s4 =	sadd.s32 s5, s19  }
0x9d: {  	s8 =	simm.s32 $0x0;
	s20 =	sshll.u32 s6, $0x1;
	s6 =	sadd.s32 s21, s4  }
0x9e: {  	[timem:s8], [sflag:s22] =	dma.local [hbm:s6], s20  }
0x9f: {  	_ =	swait.ge [sflag:s22], s20  }
0xa0: {  	s5 =	ssub.s32 $0x0, s20;
	[sflag:s22] =	ssyncset.done $0x0  }
0xa1: {  	[sflag:s22] =	ssyncadd.s32 s5;
	_ =	sdelay $0x1  }
0xa2: {  	s23 =	simm.s32 $0x1B8B  }
0xa3: {  	_ =	swait.ge [sflag:s23], $0x1  }
0xa4: {  	[sflag:s23] =	ssyncset.done $0x0  }
0xa5: {  	s25 =	simm.s32 $0x1B8E;
	s24 =	sld [smem:$0x3FFE];
	[sflag:s23] =	ssyncadd.s32 $0xFFFFFFFF  }
0xa6: {  	s26 =	simm.s32 $execute0_lowered;
	[smem:$0x3FD2] =	sst s25  }
0xa7: {  	s6 =	sshll.u32 s26, $0x1;
	_ =	strace $0x80000046;
	[dreg:$0x1] =	wrdreg $0xFFFFFFFF  }
0xa8: {  	s28 =	simm.s32 $_size_execute0_lowered;
	s4 =	sadd.s32 s4, s6;
	[dreg:$0x0] =	wrdreg $0x0  }
0xa9: {  	s6 =	sshll.u32 s28, $0x1;
	[dreg:$0x2] =	wrdreg s4  }
0xaa: {  	[dreg:$0x3] =	wrdreg s6  }
0xab: {  	[dreg:$0x4] =	wrdreg $0xC0  }
0xac: {  	_ =	task [dreg:s8], $0x5FFFF  }
0xad: {  	[dreg:$0x1] =	wrdreg $0xFFFFFFFF  }
0xae: {  	[dreg:$0x0] =	wrdreg $0x60  }
0xaf: {  	[dreg:$0x2] =	wrdreg s24  }
0xb0: {  	[dreg:$0x3] =	wrdreg s2  }
0xb1: {  	[dreg:$0x4] =	wrdreg s18  }
0xb2: {  	[dreg:$0x5] =	wrdreg $0x9  }
0xb3: {  	_ =	task.clear_ibuf [dreg:s8], $0x6FFFF;
	_ =	strace $0x90000046  }
0xb4: {  	s29 =	simm.s32 $0x9;
	_ =	strace $0x80000048  }
0xb5: {  	_ =	swait.ge [sflag:s29], $0x1  }
0xb6: {  	[sflag:s29] =	ssyncadd.s32 $0xFFFFFFFF  }
0xb7: {  	_ =	strace $0x90000048  }
0xb8: {  	_ =	sfence  }
0xb9: {  	s30 =	sld [smem:$0x0];
	_ =	sdelay $0x2  }
0xba: {  	s31 =	sshll.u32 s1, $0xD;
	s1 =	sshrl.u32 s1, $0x2  }
0xbb: {  	s3 =	sand.u32 $0x4000, s31;
	s1 =	sadd.s32 s1, s30  }
0xbc: {  	s0 =	sor.u32 s3, s0;
	s1 =	sshll.u32 s1, $0x11  }
0xbd: {  	s0 =	sor.u32 s1, s0  }
0xbe: {  	s0 =	sadd.s32 $0x8F2B, s0  }
0xbf: {  	[sflag:s0] =	ssyncadd.remote.s32 $0x1  }
0xc0: {  	_ =	sfence.sel $0xFFFF  }
0xc1: {  	[dreg:$0x0] =	wrdreg $0xFFFFFFFF;
	(pc) =	sbr.abs _section_cstart, $3  }
0xc2: {  	[dreg:$0x1] =	wrdreg $0xFFFFFFFF  }
0xc3: {  	_ =	task.clear_ibuf [dreg:s8], $0x2FFFF;
	_ =	strace $0x9FFFFFFF  }
0xc4: {  	(tm) =	ssettm $0x7FFFFFFF  }
0xc5: {  	_ =	shalt  }
tec
execute0_lowered:
.L_overlay_start_1:
0x0: {  	(tag) =	ssettag $0x1  }
0x1: {  	s0 =	rddreg [dreg:$0x0]  }
0x2: {  	s2 =	rddreg [dreg:$0x1]  }
0x3: {  	s1 =	rddreg [dreg:$0x2];
	s3 =	srdreg.scid  }
0x4: {  	s13 =	stileid.u32;
	s16 =	simm.s32 $0xA000;
	s19 =	simm.s32 $0xB000  }
0x5: {  	s18 =	simm.s32 $0xF000;
	s30 =	simm.s32 $0x10000;
	s31 =	simm.s32 $0x10800  }
0x6: {  	s28 =	simm.s32 $0x1;
	s15 =	simm.s32 $0x3;
	s29 =	simm.s32 $0x5  }
0x7: {  	s17 =	simm.s32 $0x0;
	s4 =	sand.u32 $0x1, s3;
	s5 =	sshll.u32 s13, $0x1  }
0x8: {  	s3 =	simm.s32 $0x0;
	s8 =	sadd.s32 $0x400, s2;
	s10 =	sadd.s32 $0x600, s2  }
0x9: {  	s12 =	sadd.s32 $0x700, s2;
	s22 =	sshll.u32 s13, $0x13;
	s13 =	simm.s32 $0x12000  }
0xa: {  	s9 =	sor.u32 s4, s5;
	s20 =	ssub.s32 $0x2, s4;
	[smem:$0x7FF] =	sst s3  }
0xb: {  	s5 =	sadd.s32 $0x100, s2;
	s24 =	sshll.u32 s4, $0x12;
	s4 =	simm.s32 $0xC800  }
0xc: {  	s6 =	sshll.u32 s9, $0xA;
	s7 =	sshrl.u32 s20, $0x1;
	_ =	strace $0x80000047  }
0xd: {  	s21 =	sshll.u32 s9, $0x12;
	s9 =	sadd.s32 $0x500, s2;
	[dreg:$0xb] =	wrdreg s17  }
0xe: {  	s0 =	sadd.s32 s6, s0;
	s11 =	ssub.s32 s20, s7;
	s14 =	sadd.s32 s1, s21  }
0xf: {  	s6 =	sadd.s32 $0x200, s2;
	s0 =	sadd.s32 $0x400, s0;
	[dreg:$0x6] =	wrdreg s14  }
0x10: {  	s7 =	sadd.s32 $0x300, s2;
	s23 =	sadd.s32 $0x3E000, s14;
	[dreg:$0x5] =	wrdreg s0  }
0x11: {  	s20 =	simm.s32 $0xC000;
	s25 =	sadd.s32 $0x3F000, s14;
	[dreg:$0x8] =	wrdreg s23  }
0x12: {  	s21 =	simm.s32 $0xD000;
	s26 =	smax.u32 s11, $0x1;
	[dreg:$0x9] =	wrdreg s25  }
0x13: {  	s11 =	simm.s32 $0x6;
	s0 =	sadd.s32 $0x3D000, s14;
	[dreg:$0xa] =	wrdreg s26  }
0x14: {  	s23 =	simm.s32 $0xE000;
	s25 =	simm.s32 $0xF800;
	s14 =	simm.s32 $0x2  }
0x15: {  	v2 =	vlaneseq.u32;
	s26 =	simm.s32 $0x4;
	[dreg:$0x7] =	wrdreg s0;
	s0 =	sadd.s32 s22, s1  }
0x16: {  	vm0 =	vmmov $0xffff;
	v1 =	vshrl.u32 v2, $0x3;
	s1 =	simm.s32 $0xB800;
	s22 =	simm.s32 $0xD800;
	s0 =	sadd.s32 s24, s0  }
0x17: {  	v0 =	vand.u32 $0x7, v2;
	v2 =	vor.u32 $0x8, v2;
	v1 =	vmul.u32 $0x8, v1;
	s24 =	simm.s32 $0xE800;
	[dreg:$0x4] =	wrdreg s0;
	s0 =	simm.s32 $0xA800  }
.LBB2_1:
0x18: {  	s17 =	rddreg [dreg:$0x5]  }
0x19: {  	[tilespmem:s3], [sflag:$0x7] =	stream.linear.gather [hbm4b:s17+s3], $0x2000, $0x38;
	[tilespmem:$0x1A000] =	vst v63  }
0x1a: {  	s17 =	simm.s32 $0x7  }
0x1b: {  	_ =	swait.ge [sflag:s17], $0x2000  }
0x1c: {  	[sflag:s17] =	ssyncset.done $0x0  }
0x1d: {  	[sflag:s17] =	ssyncadd.s32 $0xFFFFE000  }
0x1e: {  	v3 =	vld [tilespmem:$0x0];
	_ =	sdelay $0x4  }
0x1f: {  	v4 =	vshll.u32 v3, $0x4  }
0x20: {  	v3 =	vand.u32 $0x7, v3;
	v4 =	vand.u32 $0xFFFFFF80, v4  }
0x21: {  	v3 =	vor.u32 v3, v4  }
0x22: {  	v4 =	vperm.xlane v3, v0;
	_ =	sdelay $0x1  }
0x23: {  	v4 =	vadd.s32 v1, v4;
	_ =	sdelay $0x3  }
0x24: {  	s17 =	simm.s32 $0x2000  }
0x25: {  	[tilespmem:s17], [sflag:$0x1] =	stream.indirect_vreg.gather [hbm4b:s2+s3], $0x80, v4, vm0, $0xb8;
	[tilespmem:$0x1A000] =	vst v63  }
0x26: {  	s17 =	simm.s32 $0x2800  }
0x27: {  	[tilespmem:s17], [sflag:$0x1] =	stream.indirect_vreg.gather [hbm4b:s5+s3], $0x80, v4, vm0, $0xb8;
	[tilespmem:$0x1A000] =	vst v63  }
0x28: {  	s17 =	simm.s32 $0x3000  }
0x29: {  	[tilespmem:s17], [sflag:$0x1] =	stream.indirect_vreg.gather [hbm4b:s6+s3], $0x80, v4, vm0, $0xb8;
	[tilespmem:$0x1A000] =	vst v63  }
0x2a: {  	s17 =	simm.s32 $0x3800  }
0x2b: {  	[tilespmem:s17], [sflag:$0x1] =	stream.indirect_vreg.gather [hbm4b:s7+s3], $0x80, v4, vm0, $0xb8;
	[tilespmem:$0x1A000] =	vst v63  }
0x2c: {  	s17 =	simm.s32 $0x4000  }
0x2d: {  	[tilespmem:s17], [sflag:$0x1] =	stream.indirect_vreg.gather [hbm4b:s8+s3], $0x80, v4, vm0, $0xb8;
	[tilespmem:$0x1A000] =	vst v63  }
0x2e: {  	v3 =	vperm.xlane v3, v2;
	s17 =	simm.s32 $0x4800  }
0x2f: {  	[tilespmem:s17], [sflag:$0x1] =	stream.indirect_vreg.gather [hbm4b:s9+s3], $0x80, v4, vm0, $0xb8;
	[tilespmem:$0x1A000] =	vst v63  }
0x30: {  	v3 =	vadd.s32 v1, v3;
	s17 =	simm.s32 $0x5000  }
0x31: {  	[tilespmem:s17], [sflag:$0x1] =	stream.indirect_vreg.gather [hbm4b:s10+s3], $0x80, v4, vm0, $0xb8;
	[tilespmem:$0x1A000] =	vst v63  }
0x32: {  	s17 =	simm.s32 $0x5800  }
0x33: {  	[tilespmem:s17], [sflag:$0x1] =	stream.indirect_vreg.gather [hbm4b:s12+s3], $0x80, v4, vm0, $0xb8;
	[tilespmem:$0x1A000] =	vst v63  }
0x34: {  	s17 =	simm.s32 $0x6000  }
0x35: {  	[tilespmem:s17], [sflag:$0x1] =	stream.indirect_vreg.gather [hbm4b:s2+s3], $0x80, v3, vm0, $0xb8;
	[tilespmem:$0x1A000] =	vst v63  }
0x36: {  	s17 =	simm.s32 $0x6800  }
0x37: {  	[tilespmem:s17], [sflag:$0x1] =	stream.indirect_vreg.gather [hbm4b:s5+s3], $0x80, v3, vm0, $0xb8;
	[tilespmem:$0x1A000] =	vst v63  }
0x38: {  	s17 =	simm.s32 $0x7000  }
0x39: {  	[tilespmem:s17], [sflag:$0x1] =	stream.indirect_vreg.gather [hbm4b:s6+s3], $0x80, v3, vm0, $0xb8;
	[tilespmem:$0x1A000] =	vst v63  }
0x3a: {  	s17 =	simm.s32 $0x7800  }
0x3b: {  	[tilespmem:s17], [sflag:$0x1] =	stream.indirect_vreg.gather [hbm4b:s7+s3], $0x80, v3, vm0, $0xb8;
	[tilespmem:$0x1A000] =	vst v63  }
0x3c: {  	s17 =	simm.s32 $0x8000  }
0x3d: {  	[tilespmem:s17], [sflag:$0x1] =	stream.indirect_vreg.gather [hbm4b:s8+s3], $0x80, v3, vm0, $0xb8;
	[tilespmem:$0x1A000] =	vst v63  }
0x3e: {  	s17 =	simm.s32 $0x8800  }
0x3f: {  	[tilespmem:s17], [sflag:$0x1] =	stream.indirect_vreg.gather [hbm4b:s9+s3], $0x80, v3, vm0, $0xb8;
	[tilespmem:$0x1A000] =	vst v63  }
0x40: {  	s17 =	simm.s32 $0x9000  }
0x41: {  	[tilespmem:s17], [sflag:$0x1] =	stream.indirect_vreg.gather [hbm4b:s10+s3], $0x80, v3, vm0, $0xb8;
	[tilespmem:$0x1A000] =	vst v63  }
0x42: {  	s17 =	simm.s32 $0x9800  }
0x43: {  	[tilespmem:s17], [sflag:$0x1] =	stream.indirect_vreg.gather [hbm4b:s12+s3], $0x80, v3, vm0, $0xb8;
	[tilespmem:$0x1A000] =	vst v63  }
0x44: {  	v3 =	vld [tilespmem:$0x80];
	_ =	sdelay $0x4  }
0x45: {  	v62 =	vshll.u32 v3, $0x4  }
0x46: {  	v3 =	vand.u32 $0x7, v3;
	v4 =	vand.u32 $0xFFFFFF80, v62  }
0x47: {  	v3 =	vor.u32 v3, v4  }
0x48: {  	v4 =	vperm.xlane v3, v0;
	_ =	sdelay $0x1  }
0x49: {  	v4 =	vadd.s32 v1, v4;
	_ =	sdelay $0x4  }
0x4a: {  	[tilespmem:s16], [sflag:$0x2] =	stream.indirect_vreg.gather [hbm4b:s2+s3], $0x80, v4, vm0, $0xb8;
	[tilespmem:$0x1A000] =	vst v63  }
0x4b: {  	_ = 	snop  }
0x4c: {  	[tilespmem:s0], [sflag:$0x2] =	stream.indirect_vreg.gather [hbm4b:s5+s3], $0x80, v4, vm0, $0xb8;
	[tilespmem:$0x1A000] =	vst v63  }
0x4d: {  	_ = 	snop  }
0x4e: {  	[tilespmem:s19], [sflag:$0x2] =	stream.indirect_vreg.gather [hbm4b:s6+s3], $0x80, v4, vm0, $0xb8;
	[tilespmem:$0x1A000] =	vst v63  }
0x4f: {  	_ = 	snop  }
0x50: {  	[tilespmem:s1], [sflag:$0x2] =	stream.indirect_vreg.gather [hbm4b:s7+s3], $0x80, v4, vm0, $0xb8;
	[tilespmem:$0x1A000] =	vst v63  }
0x51: {  	_ = 	snop  }
0x52: {  	[tilespmem:s20], [sflag:$0x2] =	stream.indirect_vreg.gather [hbm4b:s8+s3], $0x80, v4, vm0, $0xb8;
	[tilespmem:$0x1A000] =	vst v63  }
0x53: {  	v3 =	vperm.xlane v3, v2  }
0x54: {  	[tilespmem:s4], [sflag:$0x2] =	stream.indirect_vreg.gather [hbm4b:s9+s3], $0x80, v4, vm0, $0xb8;
	[tilespmem:$0x1A000] =	vst v63  }
0x55: {  	v3 =	vadd.s32 v1, v3  }
0x56: {  	[tilespmem:s21], [sflag:$0x2] =	stream.indirect_vreg.gather [hbm4b:s10+s3], $0x80, v4, vm0, $0xb8;
	[tilespmem:$0x1A000] =	vst v63  }
0x57: {  	_ = 	snop  }
0x58: {  	[tilespmem:s22], [sflag:$0x2] =	stream.indirect_vreg.gather [hbm4b:s12+s3], $0x80, v4, vm0, $0xb8;
	[tilespmem:$0x1A000] =	vst v63  }
0x59: {  	_ = 	snop  }
0x5a: {  	[tilespmem:s23], [sflag:$0x2] =	stream.indirect_vreg.gather [hbm4b:s2+s3], $0x80, v3, vm0, $0xb8;
	[tilespmem:$0x1A000] =	vst v63  }
0x5b: {  	_ = 	snop  }
0x5c: {  	[tilespmem:s24], [sflag:$0x2] =	stream.indirect_vreg.gather [hbm4b:s5+s3], $0x80, v3, vm0, $0xb8;
	[tilespmem:$0x1A000] =	vst v63  }
0x5d: {  	_ = 	snop  }
0x5e: {  	[tilespmem:s18], [sflag:$0x2] =	stream.indirect_vreg.gather [hbm4b:s6+s3], $0x80, v3, vm0, $0xb8;
	[tilespmem:$0x1A000] =	vst v63  }
0x5f: {  	_ = 	snop  }
0x60: {  	[tilespmem:s25], [sflag:$0x2] =	stream.indirect_vreg.gather [hbm4b:s7+s3], $0x80, v3, vm0, $0xb8;
	[tilespmem:$0x1A000] =	vst v63  }
0x61: {  	_ = 	snop  }
0x62: {  	[tilespmem:s30], [sflag:$0x2] =	stream.indirect_vreg.gather [hbm4b:s8+s3], $0x80, v3, vm0, $0xb8;
	[tilespmem:$0x1A000] =	vst v63  }
0x63: {  	_ = 	snop  }
0x64: {  	[tilespmem:s31], [sflag:$0x2] =	stream.indirect_vreg.gather [hbm4b:s9+s3], $0x80, v3, vm0, $0xb8;
	[tilespmem:$0x1A000] =	vst v63  }
0x65: {  	s22 =	simm.s32 $0x11000  }
0x66: {  	[tilespmem:s22], [sflag:$0x2] =	stream.indirect_vreg.gather [hbm4b:s10+s3], $0x80, v3, vm0, $0xb8;
	[tilespmem:$0x1A000] =	vst v63  }
0x67: {  	s23 =	simm.s32 $0x11800  }
0x68: {  	[tilespmem:s23], [sflag:$0x2] =	stream.indirect_vreg.gather [hbm4b:s12+s3], $0x80, v3, vm0, $0xb8;
	[tilespmem:$0x1A000] =	vst v63  }
0x69: {  	_ =	swait.ge [sflag:s28], $0x8000  }
0x6a: {  	[sflag:s28] =	ssyncset.done $0x0  }
0x6b: {  	s25 =	simm.s32 $0x2000;
	s24 =	rddreg [dreg:$0x6];
	[sflag:s28] =	ssyncadd.s32 $0xFFFF8000  }
0x6c: {  	[hbm4b:s24+s3] =	stream.linear.scatter [tilespmem:s25], [sflag:$0x4], $0x8000, $0x38;
	[tilespmem:$0x1A000] =	vst v63  }
0x6d: {  	v3 =	vld [tilespmem:$0x100];
	_ =	sdelay $0x4  }
0x6e: {  	v63 =	vshll.u32 v3, $0x4  }
0x6f: {  	v3 =	vand.u32 $0x7, v3;
	v4 =	vand.u32 $0xFFFFFF80, v63  }
0x70: {  	v3 =	vor.u32 v3, v4  }
0x71: {  	v4 =	vperm.xlane v3, v0;
	_ =	sdelay $0x1  }
0x72: {  	v4 =	vadd.s32 v1, v4;
	_ =	sdelay $0x4  }
0x73: {  	[tilespmem:s13], [sflag:$0x3] =	stream.indirect_vreg.gather [hbm4b:s2+s3], $0x80, v4, vm0, $0xb8;
	[tilespmem:$0x1A000] =	vst v63  }
0x74: {  	s31 =	simm.s32 $0x12800  }
0x75: {  	[tilespmem:s31], [sflag:$0x3] =	stream.indirect_vreg.gather [hbm4b:s5+s3], $0x80, v4, vm0, $0xb8;
	[tilespmem:$0x1A000] =	vst v63  }
0x76: {  	s1 =	simm.s32 $0x13000  }
0x77: {  	[tilespmem:s1], [sflag:$0x3] =	stream.indirect_vreg.gather [hbm4b:s6+s3], $0x80, v4, vm0, $0xb8;
	[tilespmem:$0x1A000] =	vst v63  }
0x78: {  	s4 =	simm.s32 $0x13800  }
0x79: {  	[tilespmem:s4], [sflag:$0x3] =	stream.indirect_vreg.gather [hbm4b:s7+s3], $0x80, v4, vm0, $0xb8;
	[tilespmem:$0x1A000] =	vst v63  }
0x7a: {  	s13 =	simm.s32 $0x14000  }
0x7b: {  	[tilespmem:s13], [sflag:$0x3] =	stream.indirect_vreg.gather [hbm4b:s8+s3], $0x80, v4, vm0, $0xb8;
	[tilespmem:$0x1A000] =	vst v63  }
0x7c: {  	s16 =	simm.s32 $0x14800;
	v3 =	vperm.xlane v3, v2  }
0x7d: {  	[tilespmem:s16], [sflag:$0x3] =	stream.indirect_vreg.gather [hbm4b:s9+s3], $0x80, v4, vm0, $0xb8;
	[tilespmem:$0x1A000] =	vst v63  }
0x7e: {  	s17 =	simm.s32 $0x15000;
	v3 =	vadd.s32 v1, v3  }
0x7f: {  	[tilespmem:s17], [sflag:$0x3] =	stream.indirect_vreg.gather [hbm4b:s10+s3], $0x80, v4, vm0, $0xb8;
	[tilespmem:$0x1A000] =	vst v63  }
0x80: {  	s18 =	simm.s32 $0x15800  }
0x81: {  	[tilespmem:s18], [sflag:$0x3] =	stream.indirect_vreg.gather [hbm4b:s12+s3], $0x80, v4, vm0, $0xb8;
	[tilespmem:$0x1A000] =	vst v63  }
0x82: {  	s19 =	simm.s32 $0x16000  }
0x83: {  	[tilespmem:s19], [sflag:$0x3] =	stream.indirect_vreg.gather [hbm4b:s2+s3], $0x80, v3, vm0, $0xb8;
	[tilespmem:$0x1A000] =	vst v63  }
0x84: {  	s20 =	simm.s32 $0x16800  }
0x85: {  	[tilespmem:s20], [sflag:$0x3] =	stream.indirect_vreg.gather [hbm4b:s5+s3], $0x80, v3, vm0, $0xb8;
	[tilespmem:$0x1A000] =	vst v63  }
0x86: {  	s21 =	simm.s32 $0x17000  }
0x87: {  	[tilespmem:s21], [sflag:$0x3] =	stream.indirect_vreg.gather [hbm4b:s6+s3], $0x80, v3, vm0, $0xb8;
	[tilespmem:$0x1A000] =	vst v63  }
0x88: {  	s30 =	simm.s32 $0x280;
	s22 =	simm.s32 $0x17800;
	s23 =	simm.s32 $0x18000  }
0x89: {  	[tilespmem:s22], [sflag:$0x3] =	stream.indirect_vreg.gather [hbm4b:s7+s3], $0x80, v3, vm0, $0xb8;
	[tilespmem:$0x1A000] =	vst v63  }
0x8a: {  	s24 =	simm.s32 $0x18800;
	s25 =	simm.s32 $0x19000;
	s31 =	simm.s32 $0x19800  }
0x8b: {  	[tilespmem:s23], [sflag:$0x3] =	stream.indirect_vreg.gather [hbm4b:s8+s3], $0x80, v3, vm0, $0xb8;
	[tilespmem:$0x1A000] =	vst v63  }
0x8c: {  	s1 =	simm.s32 $0x10800;
	s4 =	simm.s32 $0xC800;
	s17 =	simm.s32 $0x0  }
0x8d: {  	[tilespmem:s24], [sflag:$0x3] =	stream.indirect_vreg.gather [hbm4b:s9+s3], $0x80, v3, vm0, $0xb8;
	[tilespmem:$0x1A000] =	vst v63  }
0x8e: {  	s18 =	simm.s32 $0xF000;
	s20 =	simm.s32 $0xF800;
	s22 =	simm.s32 $0xD000  }
0x8f: {  	[tilespmem:s25], [sflag:$0x3] =	stream.indirect_vreg.gather [hbm4b:s10+s3], $0x80, v3, vm0, $0xb8;
	[tilespmem:$0x1A000] =	vst v63  }
0x90: {  	s23 =	simm.s32 $0xD800;
	s24 =	simm.s32 $0xE000;
	s25 =	simm.s32 $0xE800  }
0x91: {  	[tilespmem:s31], [sflag:$0x3] =	stream.indirect_vreg.gather [hbm4b:s12+s3], $0x80, v3, vm0, $0xb8;
	[tilespmem:$0x1A000] =	vst v63  }
.LBB2_2:
0x92: {  	_ =	swait.ge [sflag:s14], $0x8000  }
0x93: {  	s31 =	rddreg [dreg:$0x4]  }
0x94: {  	[sflag:s14] =	ssyncset.done $0x0;
	s31 =	sadd.s32 s17, s31  }
0x95: {  	s0 =	simm.s32 $0xA000;
	[sflag:s14] =	ssyncadd.s32 $0xFFFF8000;
	s19 =	sadd.s32 $0x1000, s31  }
0x96: {  	[hbm4b:s19+s3] =	stream.linear.scatter [tilespmem:s0], [sflag:$0x5], $0x8000, $0x38;
	[tilespmem:$0x1A000] =	vst v63  }
0x97: {  	_ =	swait.ge [sflag:s26], $0x8000  }
0x98: {  	[sflag:s26] =	ssyncset.done $0x0  }
0x99: {  	[sflag:s26] =	ssyncadd.s32 $0xFFFF8000  }
0x9a: {  	v3 =	vld [tilespmem:s30+$0xFFFFFF00];
	_ =	sdelay $0x4  }
0x9b: {  	v4 =	vshll.u32 v3, $0x4  }
0x9c: {  	v3 =	vand.u32 $0x7, v3;
	v4 =	vand.u32 $0xFFFFFF80, v4  }
0x9d: {  	v3 =	vor.u32 v3, v4  }
0x9e: {  	v4 =	vperm.xlane v3, v0;
	_ =	sdelay $0x1  }
0x9f: {  	v4 =	vadd.s32 v1, v4;
	_ =	sdelay $0x3  }
0xa0: {  	s13 =	simm.s32 $0x2000  }
0xa1: {  	[tilespmem:s13], [sflag:$0x1] =	stream.indirect_vreg.gather [hbm4b:s2+s3], $0x80, v4, vm0, $0xb8;
	[tilespmem:$0x1A000] =	vst v63  }
0xa2: {  	s21 =	simm.s32 $0x2800  }
0xa3: {  	[tilespmem:s21], [sflag:$0x1] =	stream.indirect_vreg.gather [hbm4b:s5+s3], $0x80, v4, vm0, $0xb8;
	[tilespmem:$0x1A000] =	vst v63  }
0xa4: {  	s16 =	simm.s32 $0x3000  }
0xa5: {  	[tilespmem:s16], [sflag:$0x1] =	stream.indirect_vreg.gather [hbm4b:s6+s3], $0x80, v4, vm0, $0xb8;
	[tilespmem:$0x1A000] =	vst v63  }
0xa6: {  	s21 =	simm.s32 $0x3800  }
0xa7: {  	[tilespmem:s21], [sflag:$0x1] =	stream.indirect_vreg.gather [hbm4b:s7+s3], $0x80, v4, vm0, $0xb8;
	[tilespmem:$0x1A000] =	vst v63  }
0xa8: {  	s16 =	simm.s32 $0x4000  }
0xa9: {  	[tilespmem:s16], [sflag:$0x1] =	stream.indirect_vreg.gather [hbm4b:s8+s3], $0x80, v4, vm0, $0xb8;
	[tilespmem:$0x1A000] =	vst v63  }
0xaa: {  	v3 =	vperm.xlane v3, v2;
	s21 =	simm.s32 $0x4800  }
0xab: {  	[tilespmem:s21], [sflag:$0x1] =	stream.indirect_vreg.gather [hbm4b:s9+s3], $0x80, v4, vm0, $0xb8;
	[tilespmem:$0x1A000] =	vst v63  }
0xac: {  	v3 =	vadd.s32 v1, v3;
	s16 =	simm.s32 $0x5000  }
0xad: {  	[tilespmem:s16], [sflag:$0x1] =	stream.indirect_vreg.gather [hbm4b:s10+s3], $0x80, v4, vm0, $0xb8;
	[tilespmem:$0x1A000] =	vst v63  }
0xae: {  	s21 =	simm.s32 $0x5800  }
0xaf: {  	[tilespmem:s21], [sflag:$0x1] =	stream.indirect_vreg.gather [hbm4b:s12+s3], $0x80, v4, vm0, $0xb8;
	[tilespmem:$0x1A000] =	vst v63  }
0xb0: {  	s16 =	simm.s32 $0x6000  }
0xb1: {  	[tilespmem:s16], [sflag:$0x1] =	stream.indirect_vreg.gather [hbm4b:s2+s3], $0x80, v3, vm0, $0xb8;
	[tilespmem:$0x1A000] =	vst v63  }
0xb2: {  	s21 =	simm.s32 $0x6800  }
0xb3: {  	[tilespmem:s21], [sflag:$0x1] =	stream.indirect_vreg.gather [hbm4b:s5+s3], $0x80, v3, vm0, $0xb8;
	[tilespmem:$0x1A000] =	vst v63  }
0xb4: {  	s16 =	simm.s32 $0x7000  }
0xb5: {  	[tilespmem:s16], [sflag:$0x1] =	stream.indirect_vreg.gather [hbm4b:s6+s3], $0x80, v3, vm0, $0xb8;
	[tilespmem:$0x1A000] =	vst v63  }
0xb6: {  	s21 =	simm.s32 $0x7800  }
0xb7: {  	[tilespmem:s21], [sflag:$0x1] =	stream.indirect_vreg.gather [hbm4b:s7+s3], $0x80, v3, vm0, $0xb8;
	[tilespmem:$0x1A000] =	vst v63  }
0xb8: {  	s16 =	simm.s32 $0x8000  }
0xb9: {  	[tilespmem:s16], [sflag:$0x1] =	stream.indirect_vreg.gather [hbm4b:s8+s3], $0x80, v3, vm0, $0xb8;
	[tilespmem:$0x1A000] =	vst v63  }
0xba: {  	s21 =	simm.s32 $0x8800  }
0xbb: {  	[tilespmem:s21], [sflag:$0x1] =	stream.indirect_vreg.gather [hbm4b:s9+s3], $0x80, v3, vm0, $0xb8;
	[tilespmem:$0x1A000] =	vst v63  }
0xbc: {  	s16 =	simm.s32 $0x9000  }
0xbd: {  	[tilespmem:s16], [sflag:$0x1] =	stream.indirect_vreg.gather [hbm4b:s10+s3], $0x80, v3, vm0, $0xb8;
	[tilespmem:$0x1A000] =	vst v63  }
0xbe: {  	s21 =	simm.s32 $0x9800  }
0xbf: {  	[tilespmem:s21], [sflag:$0x1] =	stream.indirect_vreg.gather [hbm4b:s12+s3], $0x80, v3, vm0, $0xb8;
	[tilespmem:$0x1A000] =	vst v63  }
0xc0: {  	_ =	swait.ge [sflag:s15], $0x8000  }
0xc1: {  	[sflag:s15] =	ssyncset.done $0x0  }
0xc2: {  	s16 =	sadd.s32 $0x2000, s31;
	s21 =	simm.s32 $0x12000;
	[sflag:s15] =	ssyncadd.s32 $0xFFFF8000  }
0xc3: {  	[hbm4b:s16+s3] =	stream.linear.scatter [tilespmem:s21], [sflag:$0x6], $0x8000, $0x38;
	[tilespmem:$0x1A000] =	vst v63  }
0xc4: {  	_ =	swait.ge [sflag:s29], $0x8000  }
0xc5: {  	[sflag:s29] =	ssyncset.done $0x0  }
0xc6: {  	[sflag:s29] =	ssyncadd.s32 $0xFFFF8000  }
0xc7: {  	v3 =	vld [tilespmem:s30+$0xFFFFFF80];
	_ =	sdelay $0x4  }
0xc8: {  	v62 =	vshll.u32 v3, $0x4  }
0xc9: {  	v3 =	vand.u32 $0x7, v3;
	v4 =	vand.u32 $0xFFFFFF80, v62  }
0xca: {  	v3 =	vor.u32 v3, v4  }
0xcb: {  	v4 =	vperm.xlane v3, v0;
	_ =	sdelay $0x1  }
0xcc: {  	v4 =	vadd.s32 v1, v4;
	_ =	sdelay $0x4  }
0xcd: {  	[tilespmem:s0], [sflag:$0x2] =	stream.indirect_vreg.gather [hbm4b:s2+s3], $0x80, v4, vm0, $0xb8;
	[tilespmem:$0x1A000] =	vst v63  }
0xce: {  	s19 =	simm.s32 $0xA800  }
0xcf: {  	[tilespmem:s19], [sflag:$0x2] =	stream.indirect_vreg.gather [hbm4b:s5+s3], $0x80, v4, vm0, $0xb8;
	[tilespmem:$0x1A000] =	vst v63  }
0xd0: {  	s19 =	simm.s32 $0xB000  }
0xd1: {  	[tilespmem:s19], [sflag:$0x2] =	stream.indirect_vreg.gather [hbm4b:s6+s3], $0x80, v4, vm0, $0xb8;
	[tilespmem:$0x1A000] =	vst v63  }
0xd2: {  	s19 =	simm.s32 $0xB800  }
0xd3: {  	[tilespmem:s19], [sflag:$0x2] =	stream.indirect_vreg.gather [hbm4b:s7+s3], $0x80, v4, vm0, $0xb8;
	[tilespmem:$0x1A000] =	vst v63  }
0xd4: {  	s19 =	simm.s32 $0xC000  }
0xd5: {  	[tilespmem:s19], [sflag:$0x2] =	stream.indirect_vreg.gather [hbm4b:s8+s3], $0x80, v4, vm0, $0xb8;
	[tilespmem:$0x1A000] =	vst v63  }
0xd6: {  	v3 =	vperm.xlane v3, v2  }
0xd7: {  	[tilespmem:s4], [sflag:$0x2] =	stream.indirect_vreg.gather [hbm4b:s9+s3], $0x80, v4, vm0, $0xb8;
	[tilespmem:$0x1A000] =	vst v63  }
0xd8: {  	v3 =	vadd.s32 v1, v3  }
0xd9: {  	[tilespmem:s22], [sflag:$0x2] =	stream.indirect_vreg.gather [hbm4b:s10+s3], $0x80, v4, vm0, $0xb8;
	[tilespmem:$0x1A000] =	vst v63  }
0xda: {  	_ = 	snop  }
0xdb: {  	[tilespmem:s23], [sflag:$0x2] =	stream.indirect_vreg.gather [hbm4b:s12+s3], $0x80, v4, vm0, $0xb8;
	[tilespmem:$0x1A000] =	vst v63  }
0xdc: {  	_ = 	snop  }
0xdd: {  	[tilespmem:s24], [sflag:$0x2] =	stream.indirect_vreg.gather [hbm4b:s2+s3], $0x80, v3, vm0, $0xb8;
	[tilespmem:$0x1A000] =	vst v63  }
0xde: {  	_ = 	snop  }
0xdf: {  	[tilespmem:s25], [sflag:$0x2] =	stream.indirect_vreg.gather [hbm4b:s5+s3], $0x80, v3, vm0, $0xb8;
	[tilespmem:$0x1A000] =	vst v63  }
0xe0: {  	_ = 	snop  }
0xe1: {  	[tilespmem:s18], [sflag:$0x2] =	stream.indirect_vreg.gather [hbm4b:s6+s3], $0x80, v3, vm0, $0xb8;
	[tilespmem:$0x1A000] =	vst v63  }
0xe2: {  	_ = 	snop  }
0xe3: {  	[tilespmem:s20], [sflag:$0x2] =	stream.indirect_vreg.gather [hbm4b:s7+s3], $0x80, v3, vm0, $0xb8;
	[tilespmem:$0x1A000] =	vst v63  }
0xe4: {  	s19 =	simm.s32 $0x10000  }
0xe5: {  	[tilespmem:s19], [sflag:$0x2] =	stream.indirect_vreg.gather [hbm4b:s8+s3], $0x80, v3, vm0, $0xb8;
	[tilespmem:$0x1A000] =	vst v63  }
0xe6: {  	_ = 	snop  }
0xe7: {  	[tilespmem:s1], [sflag:$0x2] =	stream.indirect_vreg.gather [hbm4b:s9+s3], $0x80, v3, vm0, $0xb8;
	[tilespmem:$0x1A000] =	vst v63  }
0xe8: {  	s19 =	simm.s32 $0x11000  }
0xe9: {  	[tilespmem:s19], [sflag:$0x2] =	stream.indirect_vreg.gather [hbm4b:s10+s3], $0x80, v3, vm0, $0xb8;
	[tilespmem:$0x1A000] =	vst v63  }
0xea: {  	s19 =	simm.s32 $0x11800  }
0xeb: {  	[tilespmem:s19], [sflag:$0x2] =	stream.indirect_vreg.gather [hbm4b:s12+s3], $0x80, v3, vm0, $0xb8;
	[tilespmem:$0x1A000] =	vst v63  }
0xec: {  	_ =	swait.ge [sflag:s28], $0x8000  }
0xed: {  	[sflag:s28] =	ssyncset.done $0x0  }
0xee: {  	s0 =	sadd.s32 $0x3000, s31;
	[sflag:s28] =	ssyncadd.s32 $0xFFFF8000  }
0xef: {  	[hbm4b:s0+s3] =	stream.linear.scatter [tilespmem:s13], [sflag:$0x4], $0x8000, $0x38;
	[tilespmem:$0x1A000] =	vst v63  }
0xf0: {  	_ =	swait.ge [sflag:s11], $0x8000  }
0xf1: {  	[sflag:s11] =	ssyncset.done $0x0  }
0xf2: {  	[sflag:s11] =	ssyncadd.s32 $0xFFFF8000  }
0xf3: {  	v3 =	vld [tilespmem:s30+$0x0];
	_ =	sdelay $0x4  }
0xf4: {  	v63 =	vshll.u32 v3, $0x4  }
0xf5: {  	v3 =	vand.u32 $0x7, v3;
	v4 =	vand.u32 $0xFFFFFF80, v63  }
0xf6: {  	v3 =	vor.u32 v3, v4  }
0xf7: {  	v4 =	vperm.xlane v3, v0;
	_ =	sdelay $0x1  }
0xf8: {  	v4 =	vadd.s32 v1, v4;
	_ =	sdelay $0x4  }
0xf9: {  	[tilespmem:s21], [sflag:$0x3] =	stream.indirect_vreg.gather [hbm4b:s2+s3], $0x80, v4, vm0, $0xb8;
	[tilespmem:$0x1A000] =	vst v63  }
0xfa: {  	s19 =	simm.s32 $0x12800  }
0xfb: {  	[tilespmem:s19], [sflag:$0x3] =	stream.indirect_vreg.gather [hbm4b:s5+s3], $0x80, v4, vm0, $0xb8;
	[tilespmem:$0x1A000] =	vst v63  }
0xfc: {  	s21 =	simm.s32 $0x13000  }
0xfd: {  	[tilespmem:s21], [sflag:$0x3] =	stream.indirect_vreg.gather [hbm4b:s6+s3], $0x80, v4, vm0, $0xb8;
	[tilespmem:$0x1A000] =	vst v63  }
0xfe: {  	s31 =	simm.s32 $0x13800  }
0xff: {  	[tilespmem:s31], [sflag:$0x3] =	stream.indirect_vreg.gather [hbm4b:s7+s3], $0x80, v4, vm0, $0xb8;
	[tilespmem:$0x1A000] =	vst v63  }
0x100: {  	s19 =	simm.s32 $0x14000  }
0x101: {  	[tilespmem:s19], [sflag:$0x3] =	stream.indirect_vreg.gather [hbm4b:s8+s3], $0x80, v4, vm0, $0xb8;
	[tilespmem:$0x1A000] =	vst v63  }
0x102: {  	v3 =	vperm.xlane v3, v2;
	s21 =	simm.s32 $0x14800  }
0x103: {  	[tilespmem:s21], [sflag:$0x3] =	stream.indirect_vreg.gather [hbm4b:s9+s3], $0x80, v4, vm0, $0xb8;
	[tilespmem:$0x1A000] =	vst v63  }
0x104: {  	v3 =	vadd.s32 v1, v3;
	s31 =	simm.s32 $0x15000  }
0x105: {  	[tilespmem:s31], [sflag:$0x3] =	stream.indirect_vreg.gather [hbm4b:s10+s3], $0x80, v4, vm0, $0xb8;
	[tilespmem:$0x1A000] =	vst v63  }
0x106: {  	s19 =	simm.s32 $0x15800  }
0x107: {  	[tilespmem:s19], [sflag:$0x3] =	stream.indirect_vreg.gather [hbm4b:s12+s3], $0x80, v4, vm0, $0xb8;
	[tilespmem:$0x1A000] =	vst v63  }
0x108: {  	s21 =	simm.s32 $0x16000  }
0x109: {  	[tilespmem:s21], [sflag:$0x3] =	stream.indirect_vreg.gather [hbm4b:s2+s3], $0x80, v3, vm0, $0xb8;
	[tilespmem:$0x1A000] =	vst v63  }
0x10a: {  	s31 =	simm.s32 $0x16800  }
0x10b: {  	[tilespmem:s31], [sflag:$0x3] =	stream.indirect_vreg.gather [hbm4b:s5+s3], $0x80, v3, vm0, $0xb8;
	[tilespmem:$0x1A000] =	vst v63  }
0x10c: {  	s19 =	simm.s32 $0x17000  }
0x10d: {  	[tilespmem:s19], [sflag:$0x3] =	stream.indirect_vreg.gather [hbm4b:s6+s3], $0x80, v3, vm0, $0xb8;
	[tilespmem:$0x1A000] =	vst v63  }
0x10e: {  	s21 =	simm.s32 $0x17800  }
0x10f: {  	[tilespmem:s21], [sflag:$0x3] =	stream.indirect_vreg.gather [hbm4b:s7+s3], $0x80, v3, vm0, $0xb8;
	[tilespmem:$0x1A000] =	vst v63  }
0x110: {  	s31 =	simm.s32 $0x18000  }
0x111: {  	[tilespmem:s31], [sflag:$0x3] =	stream.indirect_vreg.gather [hbm4b:s8+s3], $0x80, v3, vm0, $0xb8;
	[tilespmem:$0x1A000] =	vst v63  }
0x112: {  	p0 =	sne.s32 s17, $0x39000;
	s19 =	simm.s32 $0x18800  }
0x113: {  	[tilespmem:s19], [sflag:$0x3] =	stream.indirect_vreg.gather [hbm4b:s9+s3], $0x80, v3, vm0, $0xb8;
	[tilespmem:$0x1A000] =	vst v63  }
.Ltmp0:
0x114: {  	_ = 	snop;
	(pc) =	sbr.rel @p0 .LBB2_2-.Ltmp0, $4  }
0x115: {  	s17 =	sadd.s32 $0x3000, s17;
	s16 =	simm.s32 $0xA000;
	s21 =	simm.s32 $0x19000  }
0x116: {  	[tilespmem:s21], [sflag:$0x3] =	stream.indirect_vreg.gather [hbm4b:s10+s3], $0x80, v3, vm0, $0xb8;
	[tilespmem:$0x1A000] =	vst v63  }
0x117: {  	s13 =	simm.s32 $0x12000;
	s30 =	sadd.s32 $0x180, s30;
	s31 =	simm.s32 $0x19800  }
0x118: {  	[tilespmem:s31], [sflag:$0x3] =	stream.indirect_vreg.gather [hbm4b:s12+s3], $0x80, v3, vm0, $0xb8;
	[tilespmem:$0x1A000] =	vst v63  }
0x119: {  	_ =	swait.ge [sflag:s14], $0x8000  }
0x11a: {  	[sflag:s14] =	ssyncset.done $0x0  }
0x11b: {  	s17 =	rddreg [dreg:$0x7];
	[sflag:s14] =	ssyncadd.s32 $0xFFFF8000  }
0x11c: {  	[hbm4b:s17+s3] =	stream.linear.scatter [tilespmem:s16], [sflag:$0x5], $0x8000, $0x38;
	[tilespmem:$0x1A000] =	vst v63  }
0x11d: {  	_ =	swait.ge [sflag:s26], $0x8000  }
0x11e: {  	[sflag:s26] =	ssyncset.done $0x0  }
0x11f: {  	[sflag:s26] =	ssyncadd.s32 $0xFFFF8000  }
0x120: {  	v3 =	vld [tilespmem:$0x1F80];
	_ =	sdelay $0x4  }
0x121: {  	v4 =	vshll.u32 v3, $0x4  }
0x122: {  	v3 =	vand.u32 $0x7, v3;
	v4 =	vand.u32 $0xFFFFFF80, v4  }
0x123: {  	v3 =	vor.u32 v3, v4  }
0x124: {  	v4 =	vperm.xlane v3, v0;
	_ =	sdelay $0x1  }
0x125: {  	v4 =	vadd.s32 v1, v4;
	_ =	sdelay $0x3  }
0x126: {  	s0 =	simm.s32 $0x2000  }
0x127: {  	[tilespmem:s0], [sflag:$0x1] =	stream.indirect_vreg.gather [hbm4b:s2+s3], $0x80, v4, vm0, $0xb8;
	[tilespmem:$0x1A000] =	vst v63  }
0x128: {  	s4 =	simm.s32 $0x2800  }
0x129: {  	[tilespmem:s4], [sflag:$0x1] =	stream.indirect_vreg.gather [hbm4b:s5+s3], $0x80, v4, vm0, $0xb8;
	[tilespmem:$0x1A000] =	vst v63  }
0x12a: {  	s18 =	simm.s32 $0x3000  }
0x12b: {  	[tilespmem:s18], [sflag:$0x1] =	stream.indirect_vreg.gather [hbm4b:s6+s3], $0x80, v4, vm0, $0xb8;
	[tilespmem:$0x1A000] =	vst v63  }
0x12c: {  	s19 =	simm.s32 $0x3800  }
0x12d: {  	[tilespmem:s19], [sflag:$0x1] =	stream.indirect_vreg.gather [hbm4b:s7+s3], $0x80, v4, vm0, $0xb8;
	[tilespmem:$0x1A000] =	vst v63  }
0x12e: {  	s20 =	simm.s32 $0x4000  }
0x12f: {  	[tilespmem:s20], [sflag:$0x1] =	stream.indirect_vreg.gather [hbm4b:s8+s3], $0x80, v4, vm0, $0xb8;
	[tilespmem:$0x1A000] =	vst v63  }
0x130: {  	s21 =	simm.s32 $0x4800;
	v3 =	vperm.xlane v3, v2  }
0x131: {  	[tilespmem:s21], [sflag:$0x1] =	stream.indirect_vreg.gather [hbm4b:s9+s3], $0x80, v4, vm0, $0xb8;
	[tilespmem:$0x1A000] =	vst v63  }
0x132: {  	s22 =	simm.s32 $0x5000;
	v3 =	vadd.s32 v1, v3  }
0x133: {  	[tilespmem:s22], [sflag:$0x1] =	stream.indirect_vreg.gather [hbm4b:s10+s3], $0x80, v4, vm0, $0xb8;
	[tilespmem:$0x1A000] =	vst v63  }
0x134: {  	s23 =	simm.s32 $0x5800  }
0x135: {  	[tilespmem:s23], [sflag:$0x1] =	stream.indirect_vreg.gather [hbm4b:s12+s3], $0x80, v4, vm0, $0xb8;
	[tilespmem:$0x1A000] =	vst v63  }
0x136: {  	s24 =	simm.s32 $0x6000  }
0x137: {  	[tilespmem:s24], [sflag:$0x1] =	stream.indirect_vreg.gather [hbm4b:s2+s3], $0x80, v3, vm0, $0xb8;
	[tilespmem:$0x1A000] =	vst v63  }
0x138: {  	s25 =	simm.s32 $0x6800  }
0x139: {  	[tilespmem:s25], [sflag:$0x1] =	stream.indirect_vreg.gather [hbm4b:s5+s3], $0x80, v3, vm0, $0xb8;
	[tilespmem:$0x1A000] =	vst v63  }
0x13a: {  	s1 =	simm.s32 $0x7000  }
0x13b: {  	[tilespmem:s1], [sflag:$0x1] =	stream.indirect_vreg.gather [hbm4b:s6+s3], $0x80, v3, vm0, $0xb8;
	[tilespmem:$0x1A000] =	vst v63  }
0x13c: {  	s4 =	simm.s32 $0x7800  }
0x13d: {  	[tilespmem:s4], [sflag:$0x1] =	stream.indirect_vreg.gather [hbm4b:s7+s3], $0x80, v3, vm0, $0xb8;
	[tilespmem:$0x1A000] =	vst v63  }
0x13e: {  	s18 =	simm.s32 $0x8000  }
0x13f: {  	[tilespmem:s18], [sflag:$0x1] =	stream.indirect_vreg.gather [hbm4b:s8+s3], $0x80, v3, vm0, $0xb8;
	[tilespmem:$0x1A000] =	vst v63  }
0x140: {  	s19 =	simm.s32 $0x8800  }
0x141: {  	[tilespmem:s19], [sflag:$0x1] =	stream.indirect_vreg.gather [hbm4b:s9+s3], $0x80, v3, vm0, $0xb8;
	[tilespmem:$0x1A000] =	vst v63  }
0x142: {  	s20 =	simm.s32 $0x9000  }
0x143: {  	[tilespmem:s20], [sflag:$0x1] =	stream.indirect_vreg.gather [hbm4b:s10+s3], $0x80, v3, vm0, $0xb8;
	[tilespmem:$0x1A000] =	vst v63  }
0x144: {  	s21 =	simm.s32 $0x9800  }
0x145: {  	[tilespmem:s21], [sflag:$0x1] =	stream.indirect_vreg.gather [hbm4b:s12+s3], $0x80, v3, vm0, $0xb8;
	[tilespmem:$0x1A000] =	vst v63  }
0x146: {  	_ =	swait.ge [sflag:s15], $0x8000  }
0x147: {  	[sflag:s15] =	ssyncset.done $0x0  }
0x148: {  	s22 =	rddreg [dreg:$0x8];
	[sflag:s15] =	ssyncadd.s32 $0xFFFF8000  }
0x149: {  	[hbm4b:s22+s3] =	stream.linear.scatter [tilespmem:s13], [sflag:$0x6], $0x8000, $0x38;
	[tilespmem:$0x1A000] =	vst v63  }
0x14a: {  	_ =	swait.ge [sflag:s28], $0x8000  }
0x14b: {  	[sflag:s28] =	ssyncset.done $0x0  }
0x14c: {  	s23 =	rddreg [dreg:$0x9];
	[sflag:s28] =	ssyncadd.s32 $0xFFFF8000  }
0x14d: {  	[hbm4b:s23+s3] =	stream.linear.scatter [tilespmem:s0], [sflag:$0x4], $0x8000, $0x38;
	[tilespmem:$0x1A000] =	vst v63  }
0x14e: {  	_ =	swait.ge [sflag:s29], $0x8000  }
0x14f: {  	[sflag:s29] =	ssyncset.done $0x0  }
0x150: {  	[sflag:s29] =	ssyncadd.s32 $0xFFFF8000  }
0x151: {  	_ =	swait.ge [sflag:s11], $0x8000  }
0x152: {  	[sflag:s11] =	ssyncset.done $0x0  }
0x153: {  	[sflag:s11] =	ssyncadd.s32 $0xFFFF8000  }
0x154: {  	_ =	swait.ge [sflag:s26], $0x8000  }
0x155: {  	s24 =	rddreg [dreg:$0xb]  }
0x156: {  	s25 =	rddreg [dreg:$0xa];
	s0 =	sadd.s32 $0x1, s24  }
0x157: {  	s30 =	simm.s32 $0x10000;
	s31 =	simm.s32 $0x10800;
	p0 =	sne.s32 s0, s25  }
.Ltmp1:
0x158: {  	s1 =	simm.s32 $0xB800;
	s4 =	simm.s32 $0xC800;
	(pc) =	sbr.rel @p0 .LBB2_1-.Ltmp1, $4  }
0x159: {  	s18 =	simm.s32 $0xF000;
	s19 =	simm.s32 $0xB000;
	s20 =	simm.s32 $0xC000  }
0x15a: {  	s21 =	simm.s32 $0xD000;
	s22 =	simm.s32 $0xD800;
	[sflag:s26] =	ssyncset.done $0x0  }
0x15b: {  	s23 =	simm.s32 $0xE000;
	[sflag:s26] =	ssyncadd.s32 $0xFFFF8000;
	s24 =	simm.s32 $0xE800  }
0x15c: {  	[dreg:$0xb] =	wrdreg s0;
	s0 =	simm.s32 $0xA800;
	s25 =	simm.s32 $0xF800  }
0x15d: {  	_ =	sfence.sel $0x180000  }
0x15e: {  	[bflag:$0x0] =	sbarrier.arrive $0xFFFF  }
0x15f: {  	_ =	strace $0x90000047  }
0x160: {  	s0 =	stileid.u32;
	[bflag:$0x2] =	sbarrier.arrive $0xFFFF  }
0x161: {  	p0 =	sne.s32 s0, $0x0;
	s0 =	rddreg [dreg:$0x3]  }
0x162: {  	s0 =	sadd.s32 @!p0 $0x100000, s0  }
0x163: {  	[sflag:s0] =	ssyncadd.tile.s32 @!p0 $0x1;
	_ =	shalt  }
.Lfunc_end2:
_tile_overlayer_lowered:
.L_overlay_start_2:
0x164: {  	(tag) =	ssettag $0x2  }
0x165: {  	s0 =	rddreg [dreg:$0x0];
	s2 =	stileid.u32  }
0x166: {  	s1 =	rddreg [dreg:$0x1];
	p0 =	sne.s32 s2, $0x0  }
0x167: {  	s3 =	rddreg [dreg:$0x2];
	[bflag:$0x3] =	sbarrier.arrive $0xFFFF;
	s2 =	simm.s32 @!p0 $0x1C07  }
0x168: {  	[timem:s3], [sflag:s2] =	dma.local @!p0 [hbm:s0], s1  }
0x169: {  	s0 =	simm.s32 @!p0 $0x7  }
0x16a: {  	_ =	swait.ge @!p0 [sflag:s0], s1  }
0x16b: {  	s1 =	ssub.s32 @!p0 $0x0, s1;
	[sflag:s0] =	ssyncset.done @!p0 $0x0  }
0x16c: {  	[sflag:s0] =	ssyncadd.s32 @!p0 s1  }
0x16d: {  	[bflag:$0x3] =	sbarrier.arrive $0xFFFF  }
0x16e: {  	_ =	shalt  }

</sc_bundles>
